<compile_context>
chip_gen: v7x
topology: tpu7x:2x2x1
jax: 0.10.2.dev20260603
libtpu: 0.0.44.dev20260713+nightly
codegen_flags: <defaults>
</compile_context>

<pallas_src>
import jax
import jax.numpy as jnp
from jax import lax
from jax.experimental import pallas as pl
from jax.experimental.pallas import tpu as pltpu
from jax.experimental.pallas import tpu_sc as plsc

N_USERS = 10000
N_ITEMS = 10000
N_EDGES = 320000
D = 128

NC = 2
NS = 16
L = 16

BLK = 128
SB = 2 * BLK
NSB = N_EDGES // SB
ROWS_PER_SUB = 624
ROWS_TAIL = N_USERS - NS * ROWS_PER_SUB


def _body(tab, gidx, sidx, norm, out_u, out_i, acc,
          gi0, gi1, si0, si1, nm0, nm1, rows0, rows1, sem0, sem1):
    c = lax.axis_index("c")
    s = lax.axis_index("s")
    gi = (gi0, gi1)
    si = (si0, si1)
    nm = (nm0, nm1)
    rows = (rows0, rows1)

    def zero_row(r, _):
        for k in range(D // L):
            rows0[r, pl.ds(k * L, L)] = jnp.zeros((L,), jnp.float32)
        return 0
    lax.fori_loop(0, BLK, zero_row, 0)
    base_row = s * ROWS_PER_SUB
    for j in range(4):
        pltpu.sync_copy(rows0, acc.at[pl.ds(base_row + j * BLK, BLK)])
    pltpu.sync_copy(rows0.at[pl.ds(0, ROWS_PER_SUB - 4 * BLK)],
                    acc.at[pl.ds(base_row + 4 * BLK, ROWS_PER_SUB - 4 * BLK)])

    @pl.when(s == 0)
    def _():
        pltpu.sync_copy(rows0.at[pl.ds(0, ROWS_TAIL)],
                        acc.at[pl.ds(NS * ROWS_PER_SUB, ROWS_TAIL)])
    plsc.subcore_barrier()

    nsb_mine = jnp.where(s < (NSB % NS), NSB // NS + 1, NSB // NS)

    def scale_half(h):
        def scale_row(r, _):
            sc = plsc.load_gather(nm[h], [jnp.full((L,), r, jnp.int32)])
            for k in range(D // L):
                rows[h][r, pl.ds(k * L, L)] = rows[h][r, pl.ds(k * L, L)] * sc
            return 0
        lax.fori_loop(0, BLK, scale_row, 0)

    def block(b, _):
        base = (s + b * NS) * SB
        for h in range(2):
            pltpu.sync_copy(gidx.at[c, pl.ds(base + h * BLK, BLK)], gi[h])
            pltpu.sync_copy(sidx.at[c, pl.ds(base + h * BLK, BLK)], si[h])
            pltpu.sync_copy(norm.at[pl.ds(base + h * BLK, BLK)], nm[h])
        g0 = pltpu.make_async_copy(tab.at[gi0], rows0, sem0)
        g1 = pltpu.make_async_copy(tab.at[gi1], rows1, sem1)
        g0.start()
        g1.start()
        g0.wait()
        scale_half(0)
        g1.wait()
        scale_half(1)
        pltpu.sync_copy(rows0, acc.at[si0], add=True)
        pltpu.sync_copy(rows1, acc.at[si1], add=True)
        return 0
    lax.fori_loop(0, nsb_mine, block, 0)

    plsc.subcore_barrier()

    @pl.when(c == 0)
    def _():
        pltpu.sync_copy(acc.at[pl.ds(base_row, ROWS_PER_SUB)],
                        out_i.at[pl.ds(base_row, ROWS_PER_SUB)])

        @pl.when(s == 0)
        def _():
            pltpu.sync_copy(acc.at[pl.ds(NS * ROWS_PER_SUB, ROWS_TAIL)],
                            out_i.at[pl.ds(NS * ROWS_PER_SUB, ROWS_TAIL)])

    @pl.when(c == 1)
    def _():
        pltpu.sync_copy(acc.at[pl.ds(base_row, ROWS_PER_SUB)],
                        out_u.at[pl.ds(base_row, ROWS_PER_SUB)])

        @pl.when(s == 0)
        def _():
            pltpu.sync_copy(acc.at[pl.ds(NS * ROWS_PER_SUB, ROWS_TAIL)],
                            out_u.at[pl.ds(NS * ROWS_PER_SUB, ROWS_TAIL)])


@jax.jit
def kernel(user_emb, item_emb, edge_index, edge_norm):
    u = edge_index[0].astype(jnp.int32)
    i = edge_index[1].astype(jnp.int32)
    tab = jnp.concatenate([user_emb, item_emb], axis=0)
    gidx = jnp.stack([u, i + N_USERS], axis=0)
    sidx = jnp.stack([i, u], axis=0)

    mesh = plsc.VectorSubcoreMesh(core_axis_name="c", subcore_axis_name="s",
                                  num_cores=NC, num_subcores=NS)
    run = pl.kernel(
        _body,
        out_type=(jax.ShapeDtypeStruct((N_USERS, D), jnp.float32),
                  jax.ShapeDtypeStruct((N_ITEMS, D), jnp.float32)),
        mesh=mesh,
        compiler_params=pltpu.CompilerParams(needs_layout_passes=False),
        scratch_types=[
            pltpu.VMEM_SHARED((N_USERS, D), jnp.float32),
            pltpu.VMEM((BLK,), jnp.int32),
            pltpu.VMEM((BLK,), jnp.int32),
            pltpu.VMEM((BLK,), jnp.int32),
            pltpu.VMEM((BLK,), jnp.int32),
            pltpu.VMEM((BLK,), jnp.float32),
            pltpu.VMEM((BLK,), jnp.float32),
            pltpu.VMEM((BLK, D), jnp.float32),
            pltpu.VMEM((BLK, D), jnp.float32),
            pltpu.SemaphoreType.DMA,
            pltpu.SemaphoreType.DMA,
        ],
    )
    agg_users, agg_items = run(tab, gidx, sidx, edge_norm)
    return (agg_users, agg_items)

# --- scband reference (transcript-rebuilt; emitter-appended) ---
"""Pipeline reference for scband-light-gcnlayer-50775103373666 (READ-ONLY COPY).

The authoritative reference and input builder live on the scoring server;
editing this copy changes nothing except your own understanding.
"""

import jax, jax.numpy as jnp
import numpy as np

NUM_USERS = 10000
NUM_ITEMS = 10000
NUM_EDGES = 320000
D = 128

def setup_inputs(seed: int = 0) -> dict:
    key = jax.random.key(seed)
    k1, k2, k3, k4, k5 = jax.random.split(key, 5)
    user_emb = jax.random.normal(k1, (NUM_USERS, D), dtype=jnp.float32)
    item_emb = jax.random.normal(k2, (NUM_ITEMS, D), dtype=jnp.float32)
    u = jax.random.randint(k3, (NUM_EDGES,), 0, NUM_USERS, dtype=jnp.int64)
    i = jax.random.randint(k4, (NUM_EDGES,), 0, NUM_ITEMS, dtype=jnp.int64)
    edge_index = jnp.stack([u, i], axis=0)
    edge_norm = jax.random.uniform(k5, (NUM_EDGES,), dtype=jnp.float32)
    return {"user_emb": user_emb, "item_emb": item_emb, "edge_index": edge_index, "edge_norm": edge_norm}

def reference(user_emb, item_emb, edge_index, edge_norm):
    u = edge_index[0]
    i = edge_index[1]
    norm = edge_norm[:, None]
    msg_to_items = norm * user_emb[u]
    agg_items = jax.ops.segment_sum(msg_to_items, i, num_segments=NUM_ITEMS)
    msg_to_users = norm * item_emb[i]
    agg_users = jax.ops.segment_sum(msg_to_users, u, num_segments=NUM_USERS)
    return (agg_users, agg_items)

if __name__ == "__main__":
    import jax
    _d = setup_inputs()
    print(jax.jit(kernel)(*tuple(_d.values())))

</pallas_src>

<mosaic_0001>
#map = affine_map<(d0, d1) -> (0, 0)>
#map1 = affine_map<(d0, d1) -> (0)>
module attributes {stable_mosaic.version = 14 : i64} {
  func.func @_body(%arg0: i32, %arg1: i32, %arg2: memref<20000x128xf32, #tpu.memory_space<hbm>>, %arg3: memref<2x320000xi32, #tpu.memory_space<hbm>>, %arg4: memref<2x320000xi32, #tpu.memory_space<hbm>>, %arg5: memref<320000xf32, #tpu.memory_space<hbm>>, %arg6: memref<10000x128xf32, #tpu.memory_space<hbm>>, %arg7: memref<10000x128xf32, #tpu.memory_space<hbm>>, %arg8: memref<10000x128xf32, #tpu.memory_space<vmem_shared>>, %arg9: memref<128xi32, #tpu.memory_space<vmem>>, %arg10: memref<128xi32, #tpu.memory_space<vmem>>, %arg11: memref<128xi32, #tpu.memory_space<vmem>>, %arg12: memref<128xi32, #tpu.memory_space<vmem>>, %arg13: memref<128xf32, #tpu.memory_space<vmem>>, %arg14: memref<128xf32, #tpu.memory_space<vmem>>, %arg15: memref<128x128xf32, #tpu.memory_space<vmem>>, %arg16: memref<128x128xf32, #tpu.memory_space<vmem>>, %arg17: memref<!tpu.dma_semaphore, #tpu.memory_space<semaphore_mem>>, %arg18: memref<!tpu.dma_semaphore, #tpu.memory_space<semaphore_mem>>) attributes {dimension_semantics = [#tpu.dimension_semantics<core_parallel>, #tpu.dimension_semantics<subcore_parallel>], iteration_bounds = array<i64: 2, 16>, scalar_prefetch = 0 : i64, scratch_operands = 11 : i64, tpu.core_type = #tpu.core_type<sc_vector_subcore>, window_params = [{transform_indices = #map}, {transform_indices = #map}, {transform_indices = #map}, {transform_indices = #map1}, {transform_indices = #map}, {transform_indices = #map}]} {
    %scan3A = arith.constant 0 : i32
    %scan3A_0 = arith.constant 0 : i32
    %scan3A_1 = arith.constant 128 : i32
    %scan3A_2 = arith.addi %scan3A_0, %scan3A_1 : i32
    %scan3A_3 = arith.constant 1 : i32
    %scan3A_4 = scf.for %scan3A_42 = %scan3A_0 to %scan3A_2 step %scan3A_3 iter_args(%scan3A_43 = %scan3A) -> (i32)  : i32 {
      %broadcast_in_dim3A = arith.constant 0.000000e+00 : f32
      %broadcast_in_dim3A_44 = vector.broadcast %broadcast_in_dim3A : f32 to vector<16xf32>
      %swap3A = arith.index_cast %scan3A_42 : i32 to index
      %swap3A_45 = arith.constant 0 : index
      %swap3A_46 = tpu.vector_load %arg15[%swap3A, %swap3A_45] {strides = array<i32>} : memref<128x128xf32, #tpu.memory_space<vmem>>, vector<16xf32>,
      tpu.vector_store %arg15[%swap3A, %swap3A_45], %broadcast_in_dim3A_44 {strides = array<i32>} : memref<128x128xf32, #tpu.memory_space<vmem>>, vector<16xf32>,
      %broadcast_in_dim3A_47 = arith.constant 0.000000e+00 : f32
      %broadcast_in_dim3A_48 = vector.broadcast %broadcast_in_dim3A_47 : f32 to vector<16xf32>
      %swap3A_49 = arith.index_cast %scan3A_42 : i32 to index
      %swap3A_50 = arith.constant 16 : index
      %swap3A_51 = tpu.vector_load %arg15[%swap3A_49, %swap3A_50] {strides = array<i32>} : memref<128x128xf32, #tpu.memory_space<vmem>>, vector<16xf32>,
      tpu.vector_store %arg15[%swap3A_49, %swap3A_50], %broadcast_in_dim3A_48 {strides = array<i32>} : memref<128x128xf32, #tpu.memory_space<vmem>>, vector<16xf32>,
      %broadcast_in_dim3A_52 = arith.constant 0.000000e+00 : f32
      %broadcast_in_dim3A_53 = vector.broadcast %broadcast_in_dim3A_52 : f32 to vector<16xf32>
      %swap3A_54 = arith.index_cast %scan3A_42 : i32 to index
      %swap3A_55 = arith.constant 32 : index
      %swap3A_56 = tpu.vector_load %arg15[%swap3A_54, %swap3A_55] {strides = array<i32>} : memref<128x128xf32, #tpu.memory_space<vmem>>, vector<16xf32>,
      tpu.vector_store %arg15[%swap3A_54, %swap3A_55], %broadcast_in_dim3A_53 {strides = array<i32>} : memref<128x128xf32, #tpu.memory_space<vmem>>, vector<16xf32>,
      %broadcast_in_dim3A_57 = arith.constant 0.000000e+00 : f32
      %broadcast_in_dim3A_58 = vector.broadcast %broadcast_in_dim3A_57 : f32 to vector<16xf32>
      %swap3A_59 = arith.index_cast %scan3A_42 : i32 to index
      %swap3A_60 = arith.constant 48 : index
      %swap3A_61 = tpu.vector_load %arg15[%swap3A_59, %swap3A_60] {strides = array<i32>} : memref<128x128xf32, #tpu.memory_space<vmem>>, vector<16xf32>,
      tpu.vector_store %arg15[%swap3A_59, %swap3A_60], %broadcast_in_dim3A_58 {strides = array<i32>} : memref<128x128xf32, #tpu.memory_space<vmem>>, vector<16xf32>,
      %broadcast_in_dim3A_62 = arith.constant 0.000000e+00 : f32
      %broadcast_in_dim3A_63 = vector.broadcast %broadcast_in_dim3A_62 : f32 to vector<16xf32>
      %swap3A_64 = arith.index_cast %scan3A_42 : i32 to index
      %swap3A_65 = arith.constant 64 : index
      %swap3A_66 = tpu.vector_load %arg15[%swap3A_64, %swap3A_65] {strides = array<i32>} : memref<128x128xf32, #tpu.memory_space<vmem>>, vector<16xf32>,
      tpu.vector_store %arg15[%swap3A_64, %swap3A_65], %broadcast_in_dim3A_63 {strides = array<i32>} : memref<128x128xf32, #tpu.memory_space<vmem>>, vector<16xf32>,
      %broadcast_in_dim3A_67 = arith.constant 0.000000e+00 : f32
      %broadcast_in_dim3A_68 = vector.broadcast %broadcast_in_dim3A_67 : f32 to vector<16xf32>
      %swap3A_69 = arith.index_cast %scan3A_42 : i32 to index
      %swap3A_70 = arith.constant 80 : index
      %swap3A_71 = tpu.vector_load %arg15[%swap3A_69, %swap3A_70] {strides = array<i32>} : memref<128x128xf32, #tpu.memory_space<vmem>>, vector<16xf32>,
      tpu.vector_store %arg15[%swap3A_69, %swap3A_70], %broadcast_in_dim3A_68 {strides = array<i32>} : memref<128x128xf32, #tpu.memory_space<vmem>>, vector<16xf32>,
      %broadcast_in_dim3A_72 = arith.constant 0.000000e+00 : f32
      %broadcast_in_dim3A_73 = vector.broadcast %broadcast_in_dim3A_72 : f32 to vector<16xf32>
      %swap3A_74 = arith.index_cast %scan3A_42 : i32 to index
      %swap3A_75 = arith.constant 96 : index
      %swap3A_76 = tpu.vector_load %arg15[%swap3A_74, %swap3A_75] {strides = array<i32>} : memref<128x128xf32, #tpu.memory_space<vmem>>, vector<16xf32>,
      tpu.vector_store %arg15[%swap3A_74, %swap3A_75], %broadcast_in_dim3A_73 {strides = array<i32>} : memref<128x128xf32, #tpu.memory_space<vmem>>, vector<16xf32>,
      %broadcast_in_dim3A_77 = arith.constant 0.000000e+00 : f32
      %broadcast_in_dim3A_78 = vector.broadcast %broadcast_in_dim3A_77 : f32 to vector<16xf32>
      %swap3A_79 = arith.index_cast %scan3A_42 : i32 to index
      %swap3A_80 = arith.constant 112 : index
      %swap3A_81 = tpu.vector_load %arg15[%swap3A_79, %swap3A_80] {strides = array<i32>} : memref<128x128xf32, #tpu.memory_space<vmem>>, vector<16xf32>,
      tpu.vector_store %arg15[%swap3A_79, %swap3A_80], %broadcast_in_dim3A_78 {strides = array<i32>} : memref<128x128xf32, #tpu.memory_space<vmem>>, vector<16xf32>,
      %scan3A_82 = arith.constant 0 : i32
      scf.yield %scan3A_82 : i32
    }
    %scan3A_5 = arith.constant 128 : i32
    %mul3A = arith.constant 624 : i32
    %mul3A_6 = arith.muli %arg1, %mul3A : i32
    %add3A = arith.constant 0 : i32
    %add3A_7 = arith.addi %mul3A_6, %add3A : i32
    "tpu.region"() ({
      %run_scoped3A = tpu.sem_alloc : memref<!tpu.dma_semaphore, #tpu.memory_space<semaphore_mem>>
      %dma_start3A = arith.constant 0 : i32
      %dma_start3A_42 = tpu.memref_slice %arg8[%add3A_7, %dma_start3A] : memref<10000x128xf32, #tpu.memory_space<vmem_shared>> -> memref<128x128xf32, #tpu.memory_space<vmem_shared>>
      %dma_start3A_43 = arith.constant 0 : i32
      %dma_start3A_44 = tpu.memref_slice %arg8[%add3A_7, %dma_start3A_43] : memref<10000x128xf32, #tpu.memory_space<vmem_shared>> -> memref<128x128xf32, #tpu.memory_space<vmem_shared>>
      tpu.enqueue_dma source(%arg15 : memref<128x128xf32, #tpu.memory_space<vmem>>) target(%dma_start3A_44 : memref<128x128xf32, #tpu.memory_space<vmem_shared>>) target_semaphore(%run_scoped3A : memref<!tpu.dma_semaphore, #tpu.memory_space<semaphore_mem>>)
      %dma_wait3A = arith.constant 0 : i32
      %dma_wait3A_45 = tpu.memref_slice %arg8[%add3A_7, %dma_wait3A] : memref<10000x128xf32, #tpu.memory_space<vmem_shared>> -> memref<128x128xf32, #tpu.memory_space<vmem_shared>>
      %dma_wait3A_46 = arith.constant 0 : i32
      %dma_wait3A_47 = tpu.memref_slice %arg8[%add3A_7, %dma_wait3A_46] : memref<10000x128xf32, #tpu.memory_space<vmem_shared>> -> memref<128x128xf32, #tpu.memory_space<vmem_shared>>
      tpu.wait_dma2 semaphore(%run_scoped3A : memref<!tpu.dma_semaphore, #tpu.memory_space<semaphore_mem>>) src(%arg15 : memref<128x128xf32, #tpu.memory_space<vmem>>) dst(%dma_wait3A_47 : memref<128x128xf32, #tpu.memory_space<vmem_shared>>)
      tpu.yield
    }) : () -> ()
    %add3A_8 = arith.constant 128 : i32
    %add3A_9 = arith.addi %mul3A_6, %add3A_8 : i32
    "tpu.region"() ({
      %run_scoped3A = tpu.sem_alloc : memref<!tpu.dma_semaphore, #tpu.memory_space<semaphore_mem>>
      %dma_start3A = arith.constant 0 : i32
      %dma_start3A_42 = tpu.memref_slice %arg8[%add3A_9, %dma_start3A] : memref<10000x128xf32, #tpu.memory_space<vmem_shared>> -> memref<128x128xf32, #tpu.memory_space<vmem_shared>>
      %dma_start3A_43 = arith.constant 0 : i32
      %dma_start3A_44 = tpu.memref_slice %arg8[%add3A_9, %dma_start3A_43] : memref<10000x128xf32, #tpu.memory_space<vmem_shared>> -> memref<128x128xf32, #tpu.memory_space<vmem_shared>>
      tpu.enqueue_dma source(%arg15 : memref<128x128xf32, #tpu.memory_space<vmem>>) target(%dma_start3A_44 : memref<128x128xf32, #tpu.memory_space<vmem_shared>>) target_semaphore(%run_scoped3A : memref<!tpu.dma_semaphore, #tpu.memory_space<semaphore_mem>>)
      %dma_wait3A = arith.constant 0 : i32
      %dma_wait3A_45 = tpu.memref_slice %arg8[%add3A_9, %dma_wait3A] : memref<10000x128xf32, #tpu.memory_space<vmem_shared>> -> memref<128x128xf32, #tpu.memory_space<vmem_shared>>
      %dma_wait3A_46 = arith.constant 0 : i32
      %dma_wait3A_47 = tpu.memref_slice %arg8[%add3A_9, %dma_wait3A_46] : memref<10000x128xf32, #tpu.memory_space<vmem_shared>> -> memref<128x128xf32, #tpu.memory_space<vmem_shared>>
      tpu.wait_dma2 semaphore(%run_scoped3A : memref<!tpu.dma_semaphore, #tpu.memory_space<semaphore_mem>>) src(%arg15 : memref<128x128xf32, #tpu.memory_space<vmem>>) dst(%dma_wait3A_47 : memref<128x128xf32, #tpu.memory_space<vmem_shared>>)
      tpu.yield
    }) : () -> ()
    %add3A_10 = arith.constant 256 : i32
    %add3A_11 = arith.addi %mul3A_6, %add3A_10 : i32
    "tpu.region"() ({
      %run_scoped3A = tpu.sem_alloc : memref<!tpu.dma_semaphore, #tpu.memory_space<semaphore_mem>>
      %dma_start3A = arith.constant 0 : i32
      %dma_start3A_42 = tpu.memref_slice %arg8[%add3A_11, %dma_start3A] : memref<10000x128xf32, #tpu.memory_space<vmem_shared>> -> memref<128x128xf32, #tpu.memory_space<vmem_shared>>
      %dma_start3A_43 = arith.constant 0 : i32
      %dma_start3A_44 = tpu.memref_slice %arg8[%add3A_11, %dma_start3A_43] : memref<10000x128xf32, #tpu.memory_space<vmem_shared>> -> memref<128x128xf32, #tpu.memory_space<vmem_shared>>
      tpu.enqueue_dma source(%arg15 : memref<128x128xf32, #tpu.memory_space<vmem>>) target(%dma_start3A_44 : memref<128x128xf32, #tpu.memory_space<vmem_shared>>) target_semaphore(%run_scoped3A : memref<!tpu.dma_semaphore, #tpu.memory_space<semaphore_mem>>)
      %dma_wait3A = arith.constant 0 : i32
      %dma_wait3A_45 = tpu.memref_slice %arg8[%add3A_11, %dma_wait3A] : memref<10000x128xf32, #tpu.memory_space<vmem_shared>> -> memref<128x128xf32, #tpu.memory_space<vmem_shared>>
      %dma_wait3A_46 = arith.constant 0 : i32
      %dma_wait3A_47 = tpu.memref_slice %arg8[%add3A_11, %dma_wait3A_46] : memref<10000x128xf32, #tpu.memory_space<vmem_shared>> -> memref<128x128xf32, #tpu.memory_space<vmem_shared>>
      tpu.wait_dma2 semaphore(%run_scoped3A : memref<!tpu.dma_semaphore, #tpu.memory_space<semaphore_mem>>) src(%arg15 : memref<128x128xf32, #tpu.memory_space<vmem>>) dst(%dma_wait3A_47 : memref<128x128xf32, #tpu.memory_space<vmem_shared>>)
      tpu.yield
    }) : () -> ()
    %add3A_12 = arith.constant 384 : i32
    %add3A_13 = arith.addi %mul3A_6, %add3A_12 : i32
    "tpu.region"() ({
      %run_scoped3A = tpu.sem_alloc : memref<!tpu.dma_semaphore, #tpu.memory_space<semaphore_mem>>
      %dma_start3A = arith.constant 0 : i32
      %dma_start3A_42 = tpu.memref_slice %arg8[%add3A_13, %dma_start3A] : memref<10000x128xf32, #tpu.memory_space<vmem_shared>> -> memref<128x128xf32, #tpu.memory_space<vmem_shared>>
      %dma_start3A_43 = arith.constant 0 : i32
      %dma_start3A_44 = tpu.memref_slice %arg8[%add3A_13, %dma_start3A_43] : memref<10000x128xf32, #tpu.memory_space<vmem_shared>> -> memref<128x128xf32, #tpu.memory_space<vmem_shared>>
      tpu.enqueue_dma source(%arg15 : memref<128x128xf32, #tpu.memory_space<vmem>>) target(%dma_start3A_44 : memref<128x128xf32, #tpu.memory_space<vmem_shared>>) target_semaphore(%run_scoped3A : memref<!tpu.dma_semaphore, #tpu.memory_space<semaphore_mem>>)
      %dma_wait3A = arith.constant 0 : i32
      %dma_wait3A_45 = tpu.memref_slice %arg8[%add3A_13, %dma_wait3A] : memref<10000x128xf32, #tpu.memory_space<vmem_shared>> -> memref<128x128xf32, #tpu.memory_space<vmem_shared>>
      %dma_wait3A_46 = arith.constant 0 : i32
      %dma_wait3A_47 = tpu.memref_slice %arg8[%add3A_13, %dma_wait3A_46] : memref<10000x128xf32, #tpu.memory_space<vmem_shared>> -> memref<128x128xf32, #tpu.memory_space<vmem_shared>>
      tpu.wait_dma2 semaphore(%run_scoped3A : memref<!tpu.dma_semaphore, #tpu.memory_space<semaphore_mem>>) src(%arg15 : memref<128x128xf32, #tpu.memory_space<vmem>>) dst(%dma_wait3A_47 : memref<128x128xf32, #tpu.memory_space<vmem_shared>>)
      tpu.yield
    }) : () -> ()
    %add3A_14 = arith.constant 512 : i32
    %add3A_15 = arith.addi %mul3A_6, %add3A_14 : i32
    "tpu.region"() ({
      %run_scoped3A = tpu.sem_alloc : memref<!tpu.dma_semaphore, #tpu.memory_space<semaphore_mem>>
      %dma_start3A = arith.constant 0 : i32
      %dma_start3A_42 = arith.constant 0 : i32
      %dma_start3A_43 = tpu.memref_slice %arg15[%dma_start3A, %dma_start3A_42] : memref<128x128xf32, #tpu.memory_space<vmem>> -> memref<112x128xf32, #tpu.memory_space<vmem>>
      %dma_start3A_44 = arith.constant 0 : i32
      %dma_start3A_45 = tpu.memref_slice %arg8[%add3A_15, %dma_start3A_44] : memref<10000x128xf32, #tpu.memory_space<vmem_shared>> -> memref<112x128xf32, #tpu.memory_space<vmem_shared>>
      %dma_start3A_46 = arith.constant 0 : i32
      %dma_start3A_47 = tpu.memref_slice %arg8[%add3A_15, %dma_start3A_46] : memref<10000x128xf32, #tpu.memory_space<vmem_shared>> -> memref<112x128xf32, #tpu.memory_space<vmem_shared>>
      %dma_start3A_48 = arith.constant 0 : i32
      %dma_start3A_49 = arith.constant 0 : i32
      %dma_start3A_50 = tpu.memref_slice %arg15[%dma_start3A_48, %dma_start3A_49] : memref<128x128xf32, #tpu.memory_space<vmem>> -> memref<112x128xf32, #tpu.memory_space<vmem>>
      tpu.enqueue_dma source(%dma_start3A_50 : memref<112x128xf32, #tpu.memory_space<vmem>>) target(%dma_start3A_47 : memref<112x128xf32, #tpu.memory_space<vmem_shared>>) target_semaphore(%run_scoped3A : memref<!tpu.dma_semaphore, #tpu.memory_space<semaphore_mem>>)
      %dma_wait3A = arith.constant 0 : i32
      %dma_wait3A_51 = arith.constant 0 : i32
      %dma_wait3A_52 = tpu.memref_slice %arg15[%dma_wait3A, %dma_wait3A_51] : memref<128x128xf32, #tpu.memory_space<vmem>> -> memref<112x128xf32, #tpu.memory_space<vmem>>
      %dma_wait3A_53 = arith.constant 0 : i32
      %dma_wait3A_54 = tpu.memref_slice %arg8[%add3A_15, %dma_wait3A_53] : memref<10000x128xf32, #tpu.memory_space<vmem_shared>> -> memref<112x128xf32, #tpu.memory_space<vmem_shared>>
      %dma_wait3A_55 = arith.constant 0 : i32
      %dma_wait3A_56 = tpu.memref_slice %arg8[%add3A_15, %dma_wait3A_55] : memref<10000x128xf32, #tpu.memory_space<vmem_shared>> -> memref<112x128xf32, #tpu.memory_space<vmem_shared>>
      %dma_wait3A_57 = arith.constant 0 : i32
      %dma_wait3A_58 = arith.constant 0 : i32
      %dma_wait3A_59 = tpu.memref_slice %arg15[%dma_wait3A_57, %dma_wait3A_58] : memref<128x128xf32, #tpu.memory_space<vmem>> -> memref<112x128xf32, #tpu.memory_space<vmem>>
      tpu.wait_dma2 semaphore(%run_scoped3A : memref<!tpu.dma_semaphore, #tpu.memory_space<semaphore_mem>>) src(%dma_wait3A_59 : memref<112x128xf32, #tpu.memory_space<vmem>>) dst(%dma_wait3A_56 : memref<112x128xf32, #tpu.memory_space<vmem_shared>>)
      tpu.yield
    }) : () -> ()
    %eq3A = arith.constant 0 : i32
    %eq3A_16 = arith.cmpi eq, %arg1, %eq3A : i32
    %convert_element_type3A = arith.extui %eq3A_16 : i1 to i32
    %cond3A = arith.constant 0 : i32
    %cond3A_17 = arith.cmpi ne, %convert_element_type3A, %cond3A : i32
    scf.if %cond3A_17 {
      "tpu.region"() ({
        %run_scoped3A = tpu.sem_alloc : memref<!tpu.dma_semaphore, #tpu.memory_space<semaphore_mem>>
        %dma_start3A = arith.constant 0 : i32
        %dma_start3A_42 = arith.constant 0 : i32
        %dma_start3A_43 = tpu.memref_slice %arg15[%dma_start3A, %dma_start3A_42] : memref<128x128xf32, #tpu.memory_space<vmem>> -> memref<16x128xf32, #tpu.memory_space<vmem>>
        %dma_start3A_44 = arith.constant 9984 : i32
        %dma_start3A_45 = arith.constant 0 : i32
        %dma_start3A_46 = tpu.memref_slice %arg8[%dma_start3A_44, %dma_start3A_45] : memref<10000x128xf32, #tpu.memory_space<vmem_shared>> -> memref<16x128xf32, #tpu.memory_space<vmem_shared>>
        %dma_start3A_47 = arith.constant 9984 : i32
        %dma_start3A_48 = arith.constant 0 : i32
        %dma_start3A_49 = tpu.memref_slice %arg8[%dma_start3A_47, %dma_start3A_48] : memref<10000x128xf32, #tpu.memory_space<vmem_shared>> -> memref<16x128xf32, #tpu.memory_space<vmem_shared>>
        %dma_start3A_50 = arith.constant 0 : i32
        %dma_start3A_51 = arith.constant 0 : i32
        %dma_start3A_52 = tpu.memref_slice %arg15[%dma_start3A_50, %dma_start3A_51] : memref<128x128xf32, #tpu.memory_space<vmem>> -> memref<16x128xf32, #tpu.memory_space<vmem>>
        tpu.enqueue_dma source(%dma_start3A_52 : memref<16x128xf32, #tpu.memory_space<vmem>>) target(%dma_start3A_49 : memref<16x128xf32, #tpu.memory_space<vmem_shared>>) target_semaphore(%run_scoped3A : memref<!tpu.dma_semaphore, #tpu.memory_space<semaphore_mem>>)
        %dma_wait3A = arith.constant 0 : i32
        %dma_wait3A_53 = arith.constant 0 : i32
        %dma_wait3A_54 = tpu.memref_slice %arg15[%dma_wait3A, %dma_wait3A_53] : memref<128x128xf32, #tpu.memory_space<vmem>> -> memref<16x128xf32, #tpu.memory_space<vmem>>
        %dma_wait3A_55 = arith.constant 9984 : i32
        %dma_wait3A_56 = arith.constant 0 : i32
        %dma_wait3A_57 = tpu.memref_slice %arg8[%dma_wait3A_55, %dma_wait3A_56] : memref<10000x128xf32, #tpu.memory_space<vmem_shared>> -> memref<16x128xf32, #tpu.memory_space<vmem_shared>>
        %dma_wait3A_58 = arith.constant 9984 : i32
        %dma_wait3A_59 = arith.constant 0 : i32
        %dma_wait3A_60 = tpu.memref_slice %arg8[%dma_wait3A_58, %dma_wait3A_59] : memref<10000x128xf32, #tpu.memory_space<vmem_shared>> -> memref<16x128xf32, #tpu.memory_space<vmem_shared>>
        %dma_wait3A_61 = arith.constant 0 : i32
        %dma_wait3A_62 = arith.constant 0 : i32
        %dma_wait3A_63 = tpu.memref_slice %arg15[%dma_wait3A_61, %dma_wait3A_62] : memref<128x128xf32, #tpu.memory_space<vmem>> -> memref<16x128xf32, #tpu.memory_space<vmem>>
        tpu.wait_dma2 semaphore(%run_scoped3A : memref<!tpu.dma_semaphore, #tpu.memory_space<semaphore_mem>>) src(%dma_wait3A_63 : memref<16x128xf32, #tpu.memory_space<vmem>>) dst(%dma_wait3A_60 : memref<16x128xf32, #tpu.memory_space<vmem_shared>>)
        tpu.yield
      }) : () -> ()
    } else {
    }
    %barrier3A = arith.constant 0 : index
    tpu.barrier barrier_id(%barrier3A)
    %lt3A = arith.constant 2 : i32
    %lt3A_18 = arith.cmpi slt, %arg1, %lt3A : i32
    %jit3A = arith.constant 79 : i32
    %jit3A_19 = arith.constant 78 : i32
    %select_n3A = arith.select %lt3A_18, %jit3A, %jit3A_19 : i32
    %while3A = arith.constant 0 : i32
    %while3A_20 = arith.constant 0 : i32
    %while3A_21 = arith.subi %select_n3A, %while3A : i32
    %while3A_22 = arith.addi %while3A, %while3A_21 : i32
    %while3A_23 = arith.constant 1 : i32
    %while3A_24 = arith.divsi %while3A_21, %while3A_23 : i32
    %while3A_25 = arith.muli %while3A_24, %while3A_23 : i32
    %while3A_26 = arith.addi %while3A, %while3A_25 : i32
    %while3A_27 = arith.constant 1 : i32
    %while3A_28 = scf.for %while3A_42 = %while3A to %while3A_26 step %while3A_27 iter_args(%while3A_43 = %while3A_20) -> (i32)  : i32 {
      %mul3A_44 = arith.constant 16 : i32
      %mul3A_45 = arith.muli %while3A_42, %mul3A_44 : i32
      %add3A_46 = arith.addi %arg1, %mul3A_45 : i32
      %mul3A_47 = arith.constant 256 : i32
      %mul3A_48 = arith.muli %add3A_46, %mul3A_47 : i32
      %add3A_49 = arith.constant 0 : i32
      %add3A_50 = arith.addi %mul3A_48, %add3A_49 : i32
      "tpu.region"() ({
        %run_scoped3A = tpu.sem_alloc : memref<!tpu.dma_semaphore, #tpu.memory_space<semaphore_mem>>
        %dma_start3A_86 = tpu.memref_slice %arg3[%arg0, %add3A_50] : memref<2x320000xi32, #tpu.memory_space<hbm>> -> memref<1x128xi32, #tpu.memory_space<hbm>>
        %dma_start3A_87 = tpu.memref_squeeze %dma_start3A_86 : memref<1x128xi32, #tpu.memory_space<hbm>> -> memref<128xi32, #tpu.memory_space<hbm>>
        %dma_start3A_88 = tpu.memref_slice %arg3[%arg0, %add3A_50] : memref<2x320000xi32, #tpu.memory_space<hbm>> -> memref<1x128xi32, #tpu.memory_space<hbm>>
        %dma_start3A_89 = tpu.memref_squeeze %dma_start3A_88 : memref<1x128xi32, #tpu.memory_space<hbm>> -> memref<128xi32, #tpu.memory_space<hbm>>
        tpu.enqueue_dma source(%dma_start3A_89 : memref<128xi32, #tpu.memory_space<hbm>>) target(%arg9 : memref<128xi32, #tpu.memory_space<vmem>>) target_semaphore(%run_scoped3A : memref<!tpu.dma_semaphore, #tpu.memory_space<semaphore_mem>>)
        %dma_wait3A_90 = tpu.memref_slice %arg3[%arg0, %add3A_50] : memref<2x320000xi32, #tpu.memory_space<hbm>> -> memref<1x128xi32, #tpu.memory_space<hbm>>
        %dma_wait3A_91 = tpu.memref_squeeze %dma_wait3A_90 : memref<1x128xi32, #tpu.memory_space<hbm>> -> memref<128xi32, #tpu.memory_space<hbm>>
        %dma_wait3A_92 = tpu.memref_slice %arg3[%arg0, %add3A_50] : memref<2x320000xi32, #tpu.memory_space<hbm>> -> memref<1x128xi32, #tpu.memory_space<hbm>>
        %dma_wait3A_93 = tpu.memref_squeeze %dma_wait3A_92 : memref<1x128xi32, #tpu.memory_space<hbm>> -> memref<128xi32, #tpu.memory_space<hbm>>
        tpu.wait_dma2 semaphore(%run_scoped3A : memref<!tpu.dma_semaphore, #tpu.memory_space<semaphore_mem>>) src(%dma_wait3A_93 : memref<128xi32, #tpu.memory_space<hbm>>) dst(%arg9 : memref<128xi32, #tpu.memory_space<vmem>>)
        tpu.yield
      }) : () -> ()
      %add3A_51 = arith.constant 0 : i32
      %add3A_52 = arith.addi %mul3A_48, %add3A_51 : i32
      "tpu.region"() ({
        %run_scoped3A = tpu.sem_alloc : memref<!tpu.dma_semaphore, #tpu.memory_space<semaphore_mem>>
        %dma_start3A_86 = tpu.memref_slice %arg4[%arg0, %add3A_52] : memref<2x320000xi32, #tpu.memory_space<hbm>> -> memref<1x128xi32, #tpu.memory_space<hbm>>
        %dma_start3A_87 = tpu.memref_squeeze %dma_start3A_86 : memref<1x128xi32, #tpu.memory_space<hbm>> -> memref<128xi32, #tpu.memory_space<hbm>>
        %dma_start3A_88 = tpu.memref_slice %arg4[%arg0, %add3A_52] : memref<2x320000xi32, #tpu.memory_space<hbm>> -> memref<1x128xi32, #tpu.memory_space<hbm>>
        %dma_start3A_89 = tpu.memref_squeeze %dma_start3A_88 : memref<1x128xi32, #tpu.memory_space<hbm>> -> memref<128xi32, #tpu.memory_space<hbm>>
        tpu.enqueue_dma source(%dma_start3A_89 : memref<128xi32, #tpu.memory_space<hbm>>) target(%arg11 : memref<128xi32, #tpu.memory_space<vmem>>) target_semaphore(%run_scoped3A : memref<!tpu.dma_semaphore, #tpu.memory_space<semaphore_mem>>)
        %dma_wait3A_90 = tpu.memref_slice %arg4[%arg0, %add3A_52] : memref<2x320000xi32, #tpu.memory_space<hbm>> -> memref<1x128xi32, #tpu.memory_space<hbm>>
        %dma_wait3A_91 = tpu.memref_squeeze %dma_wait3A_90 : memref<1x128xi32, #tpu.memory_space<hbm>> -> memref<128xi32, #tpu.memory_space<hbm>>
        %dma_wait3A_92 = tpu.memref_slice %arg4[%arg0, %add3A_52] : memref<2x320000xi32, #tpu.memory_space<hbm>> -> memref<1x128xi32, #tpu.memory_space<hbm>>
        %dma_wait3A_93 = tpu.memref_squeeze %dma_wait3A_92 : memref<1x128xi32, #tpu.memory_space<hbm>> -> memref<128xi32, #tpu.memory_space<hbm>>
        tpu.wait_dma2 semaphore(%run_scoped3A : memref<!tpu.dma_semaphore, #tpu.memory_space<semaphore_mem>>) src(%dma_wait3A_93 : memref<128xi32, #tpu.memory_space<hbm>>) dst(%arg11 : memref<128xi32, #tpu.memory_space<vmem>>)
        tpu.yield
      }) : () -> ()
      %add3A_53 = arith.constant 0 : i32
      %add3A_54 = arith.addi %mul3A_48, %add3A_53 : i32
      "tpu.region"() ({
        %run_scoped3A = tpu.sem_alloc : memref<!tpu.dma_semaphore, #tpu.memory_space<semaphore_mem>>
        %dma_start3A_86 = tpu.memref_slice %arg5[%add3A_54] : memref<320000xf32, #tpu.memory_space<hbm>> -> memref<128xf32, #tpu.memory_space<hbm>>
        %dma_start3A_87 = tpu.memref_slice %arg5[%add3A_54] : memref<320000xf32, #tpu.memory_space<hbm>> -> memref<128xf32, #tpu.memory_space<hbm>>
        tpu.enqueue_dma source(%dma_start3A_87 : memref<128xf32, #tpu.memory_space<hbm>>) target(%arg13 : memref<128xf32, #tpu.memory_space<vmem>>) target_semaphore(%run_scoped3A : memref<!tpu.dma_semaphore, #tpu.memory_space<semaphore_mem>>)
        %dma_wait3A_88 = tpu.memref_slice %arg5[%add3A_54] : memref<320000xf32, #tpu.memory_space<hbm>> -> memref<128xf32, #tpu.memory_space<hbm>>
        %dma_wait3A_89 = tpu.memref_slice %arg5[%add3A_54] : memref<320000xf32, #tpu.memory_space<hbm>> -> memref<128xf32, #tpu.memory_space<hbm>>
        tpu.wait_dma2 semaphore(%run_scoped3A : memref<!tpu.dma_semaphore, #tpu.memory_space<semaphore_mem>>) src(%dma_wait3A_89 : memref<128xf32, #tpu.memory_space<hbm>>) dst(%arg13 : memref<128xf32, #tpu.memory_space<vmem>>)
        tpu.yield
      }) : () -> ()
      %add3A_55 = arith.constant 128 : i32
      %add3A_56 = arith.addi %mul3A_48, %add3A_55 : i32
      "tpu.region"() ({
        %run_scoped3A = tpu.sem_alloc : memref<!tpu.dma_semaphore, #tpu.memory_space<semaphore_mem>>
        %dma_start3A_86 = tpu.memref_slice %arg3[%arg0, %add3A_56] : memref<2x320000xi32, #tpu.memory_space<hbm>> -> memref<1x128xi32, #tpu.memory_space<hbm>>
        %dma_start3A_87 = tpu.memref_squeeze %dma_start3A_86 : memref<1x128xi32, #tpu.memory_space<hbm>> -> memref<128xi32, #tpu.memory_space<hbm>>
        %dma_start3A_88 = tpu.memref_slice %arg3[%arg0, %add3A_56] : memref<2x320000xi32, #tpu.memory_space<hbm>> -> memref<1x128xi32, #tpu.memory_space<hbm>>
        %dma_start3A_89 = tpu.memref_squeeze %dma_start3A_88 : memref<1x128xi32, #tpu.memory_space<hbm>> -> memref<128xi32, #tpu.memory_space<hbm>>
        tpu.enqueue_dma source(%dma_start3A_89 : memref<128xi32, #tpu.memory_space<hbm>>) target(%arg10 : memref<128xi32, #tpu.memory_space<vmem>>) target_semaphore(%run_scoped3A : memref<!tpu.dma_semaphore, #tpu.memory_space<semaphore_mem>>)
        %dma_wait3A_90 = tpu.memref_slice %arg3[%arg0, %add3A_56] : memref<2x320000xi32, #tpu.memory_space<hbm>> -> memref<1x128xi32, #tpu.memory_space<hbm>>
        %dma_wait3A_91 = tpu.memref_squeeze %dma_wait3A_90 : memref<1x128xi32, #tpu.memory_space<hbm>> -> memref<128xi32, #tpu.memory_space<hbm>>
        %dma_wait3A_92 = tpu.memref_slice %arg3[%arg0, %add3A_56] : memref<2x320000xi32, #tpu.memory_space<hbm>> -> memref<1x128xi32, #tpu.memory_space<hbm>>
        %dma_wait3A_93 = tpu.memref_squeeze %dma_wait3A_92 : memref<1x128xi32, #tpu.memory_space<hbm>> -> memref<128xi32, #tpu.memory_space<hbm>>
        tpu.wait_dma2 semaphore(%run_scoped3A : memref<!tpu.dma_semaphore, #tpu.memory_space<semaphore_mem>>) src(%dma_wait3A_93 : memref<128xi32, #tpu.memory_space<hbm>>) dst(%arg10 : memref<128xi32, #tpu.memory_space<vmem>>)
        tpu.yield
      }) : () -> ()
      %add3A_57 = arith.constant 128 : i32
      %add3A_58 = arith.addi %mul3A_48, %add3A_57 : i32
      "tpu.region"() ({
        %run_scoped3A = tpu.sem_alloc : memref<!tpu.dma_semaphore, #tpu.memory_space<semaphore_mem>>
        %dma_start3A_86 = tpu.memref_slice %arg4[%arg0, %add3A_58] : memref<2x320000xi32, #tpu.memory_space<hbm>> -> memref<1x128xi32, #tpu.memory_space<hbm>>
        %dma_start3A_87 = tpu.memref_squeeze %dma_start3A_86 : memref<1x128xi32, #tpu.memory_space<hbm>> -> memref<128xi32, #tpu.memory_space<hbm>>
        %dma_start3A_88 = tpu.memref_slice %arg4[%arg0, %add3A_58] : memref<2x320000xi32, #tpu.memory_space<hbm>> -> memref<1x128xi32, #tpu.memory_space<hbm>>
        %dma_start3A_89 = tpu.memref_squeeze %dma_start3A_88 : memref<1x128xi32, #tpu.memory_space<hbm>> -> memref<128xi32, #tpu.memory_space<hbm>>
        tpu.enqueue_dma source(%dma_start3A_89 : memref<128xi32, #tpu.memory_space<hbm>>) target(%arg12 : memref<128xi32, #tpu.memory_space<vmem>>) target_semaphore(%run_scoped3A : memref<!tpu.dma_semaphore, #tpu.memory_space<semaphore_mem>>)
        %dma_wait3A_90 = tpu.memref_slice %arg4[%arg0, %add3A_58] : memref<2x320000xi32, #tpu.memory_space<hbm>> -> memref<1x128xi32, #tpu.memory_space<hbm>>
        %dma_wait3A_91 = tpu.memref_squeeze %dma_wait3A_90 : memref<1x128xi32, #tpu.memory_space<hbm>> -> memref<128xi32, #tpu.memory_space<hbm>>
        %dma_wait3A_92 = tpu.memref_slice %arg4[%arg0, %add3A_58] : memref<2x320000xi32, #tpu.memory_space<hbm>> -> memref<1x128xi32, #tpu.memory_space<hbm>>
        %dma_wait3A_93 = tpu.memref_squeeze %dma_wait3A_92 : memref<1x128xi32, #tpu.memory_space<hbm>> -> memref<128xi32, #tpu.memory_space<hbm>>
        tpu.wait_dma2 semaphore(%run_scoped3A : memref<!tpu.dma_semaphore, #tpu.memory_space<semaphore_mem>>) src(%dma_wait3A_93 : memref<128xi32, #tpu.memory_space<hbm>>) dst(%arg12 : memref<128xi32, #tpu.memory_space<vmem>>)
        tpu.yield
      }) : () -> ()
      %add3A_59 = arith.constant 128 : i32
      %add3A_60 = arith.addi %mul3A_48, %add3A_59 : i32
      "tpu.region"() ({
        %run_scoped3A = tpu.sem_alloc : memref<!tpu.dma_semaphore, #tpu.memory_space<semaphore_mem>>
        %dma_start3A_86 = tpu.memref_slice %arg5[%add3A_60] : memref<320000xf32, #tpu.memory_space<hbm>> -> memref<128xf32, #tpu.memory_space<hbm>>
        %dma_start3A_87 = tpu.memref_slice %arg5[%add3A_60] : memref<320000xf32, #tpu.memory_space<hbm>> -> memref<128xf32, #tpu.memory_space<hbm>>
        tpu.enqueue_dma source(%dma_start3A_87 : memref<128xf32, #tpu.memory_space<hbm>>) target(%arg14 : memref<128xf32, #tpu.memory_space<vmem>>) target_semaphore(%run_scoped3A : memref<!tpu.dma_semaphore, #tpu.memory_space<semaphore_mem>>)
        %dma_wait3A_88 = tpu.memref_slice %arg5[%add3A_60] : memref<320000xf32, #tpu.memory_space<hbm>> -> memref<128xf32, #tpu.memory_space<hbm>>
        %dma_wait3A_89 = tpu.memref_slice %arg5[%add3A_60] : memref<320000xf32, #tpu.memory_space<hbm>> -> memref<128xf32, #tpu.memory_space<hbm>>
        tpu.wait_dma2 semaphore(%run_scoped3A : memref<!tpu.dma_semaphore, #tpu.memory_space<semaphore_mem>>) src(%dma_wait3A_89 : memref<128xf32, #tpu.memory_space<hbm>>) dst(%arg14 : memref<128xf32, #tpu.memory_space<vmem>>)
        tpu.yield
      }) : () -> ()
      %dma_start3A = arith.constant 0 : i32
      %dma_start3A_61 = arith.constant 0 : i32
      %dma_start3A_62 = tpu.memref_slice %arg2[%dma_start3A, %dma_start3A_61] : memref<20000x128xf32, #tpu.memory_space<hbm>> -> memref<20000x128xf32, #tpu.memory_space<hbm>>
      tpu.enqueue_indirect_dma source(%dma_start3A_62 : memref<20000x128xf32, #tpu.memory_space<hbm>>) target(%arg15 : memref<128x128xf32, #tpu.memory_space<vmem>>) offsets(%arg9 : memref<128xi32, #tpu.memory_space<vmem>>) semaphore(%arg17 : memref<!tpu.dma_semaphore, #tpu.memory_space<semaphore_mem>>)
      %dma_start3A_63 = arith.constant 0 : i32
      %dma_start3A_64 = arith.constant 0 : i32
      %dma_start3A_65 = tpu.memref_slice %arg2[%dma_start3A_63, %dma_start3A_64] : memref<20000x128xf32, #tpu.memory_space<hbm>> -> memref<20000x128xf32, #tpu.memory_space<hbm>>
      tpu.enqueue_indirect_dma source(%dma_start3A_65 : memref<20000x128xf32, #tpu.memory_space<hbm>>) target(%arg16 : memref<128x128xf32, #tpu.memory_space<vmem>>) offsets(%arg10 : memref<128xi32, #tpu.memory_space<vmem>>) semaphore(%arg18 : memref<!tpu.dma_semaphore, #tpu.memory_space<semaphore_mem>>)
      %dma_wait3A = arith.constant 0 : i32
      %dma_wait3A_66 = arith.constant 0 : i32
      %dma_wait3A_67 = tpu.memref_slice %arg2[%dma_wait3A, %dma_wait3A_66] : memref<20000x128xf32, #tpu.memory_space<hbm>> -> memref<20000x128xf32, #tpu.memory_space<hbm>>
      tpu.wait_indirect_dma semaphore(%arg17 : memref<!tpu.dma_semaphore, #tpu.memory_space<semaphore_mem>>) src(%dma_wait3A_67 : memref<20000x128xf32, #tpu.memory_space<hbm>>) dst(%arg15 : memref<128x128xf32, #tpu.memory_space<vmem>>)
      %scan3A_68 = arith.constant 0 : i32
      %scan3A_69 = arith.constant 0 : i32
      %scan3A_70 = arith.constant 128 : i32
      %scan3A_71 = arith.addi %scan3A_69, %scan3A_70 : i32
      %scan3A_72 = arith.constant 1 : i32
      %scan3A_73 = scf.for %scan3A_86 = %scan3A_69 to %scan3A_71 step %scan3A_72 iter_args(%scan3A_87 = %scan3A_68) -> (i32)  : i32 {
        %broadcast_in_dim3A = vector.broadcast %scan3A_86 : i32 to vector<16xi32>
        %gather3A = tpu.vector_load_idx %arg13[%broadcast_in_dim3A] : memref<128xf32, #tpu.memory_space<vmem>>[vector<16xi32>], vector<16xf32>,
        %get3A = arith.index_cast %scan3A_86 : i32 to index
        %get3A_88 = arith.constant 0 : index
        %get3A_89 = tpu.vector_load %arg15[%get3A, %get3A_88] {strides = array<i32>} : memref<128x128xf32, #tpu.memory_space<vmem>>, vector<16xf32>,
        %mul3A_90 = arith.mulf %get3A_89, %gather3A : vector<16xf32>
        %swap3A = arith.index_cast %scan3A_86 : i32 to index
        %swap3A_91 = arith.constant 0 : index
        %swap3A_92 = tpu.vector_load %arg15[%swap3A, %swap3A_91] {strides = array<i32>} : memref<128x128xf32, #tpu.memory_space<vmem>>, vector<16xf32>,
        tpu.vector_store %arg15[%swap3A, %swap3A_91], %mul3A_90 {strides = array<i32>} : memref<128x128xf32, #tpu.memory_space<vmem>>, vector<16xf32>,
        %get3A_93 = arith.index_cast %scan3A_86 : i32 to index
        %get3A_94 = arith.constant 16 : index
        %get3A_95 = tpu.vector_load %arg15[%get3A_93, %get3A_94] {strides = array<i32>} : memref<128x128xf32, #tpu.memory_space<vmem>>, vector<16xf32>,
        %mul3A_96 = arith.mulf %get3A_95, %gather3A : vector<16xf32>
        %swap3A_97 = arith.index_cast %scan3A_86 : i32 to index
        %swap3A_98 = arith.constant 16 : index
        %swap3A_99 = tpu.vector_load %arg15[%swap3A_97, %swap3A_98] {strides = array<i32>} : memref<128x128xf32, #tpu.memory_space<vmem>>, vector<16xf32>,
        tpu.vector_store %arg15[%swap3A_97, %swap3A_98], %mul3A_96 {strides = array<i32>} : memref<128x128xf32, #tpu.memory_space<vmem>>, vector<16xf32>,
        %get3A_100 = arith.index_cast %scan3A_86 : i32 to index
        %get3A_101 = arith.constant 32 : index
        %get3A_102 = tpu.vector_load %arg15[%get3A_100, %get3A_101] {strides = array<i32>} : memref<128x128xf32, #tpu.memory_space<vmem>>, vector<16xf32>,
        %mul3A_103 = arith.mulf %get3A_102, %gather3A : vector<16xf32>
        %swap3A_104 = arith.index_cast %scan3A_86 : i32 to index
        %swap3A_105 = arith.constant 32 : index
        %swap3A_106 = tpu.vector_load %arg15[%swap3A_104, %swap3A_105] {strides = array<i32>} : memref<128x128xf32, #tpu.memory_space<vmem>>, vector<16xf32>,
        tpu.vector_store %arg15[%swap3A_104, %swap3A_105], %mul3A_103 {strides = array<i32>} : memref<128x128xf32, #tpu.memory_space<vmem>>, vector<16xf32>,
        %get3A_107 = arith.index_cast %scan3A_86 : i32 to index
        %get3A_108 = arith.constant 48 : index
        %get3A_109 = tpu.vector_load %arg15[%get3A_107, %get3A_108] {strides = array<i32>} : memref<128x128xf32, #tpu.memory_space<vmem>>, vector<16xf32>,
        %mul3A_110 = arith.mulf %get3A_109, %gather3A : vector<16xf32>
        %swap3A_111 = arith.index_cast %scan3A_86 : i32 to index
        %swap3A_112 = arith.constant 48 : index
        %swap3A_113 = tpu.vector_load %arg15[%swap3A_111, %swap3A_112] {strides = array<i32>} : memref<128x128xf32, #tpu.memory_space<vmem>>, vector<16xf32>,
        tpu.vector_store %arg15[%swap3A_111, %swap3A_112], %mul3A_110 {strides = array<i32>} : memref<128x128xf32, #tpu.memory_space<vmem>>, vector<16xf32>,
        %get3A_114 = arith.index_cast %scan3A_86 : i32 to index
        %get3A_115 = arith.constant 64 : index
        %get3A_116 = tpu.vector_load %arg15[%get3A_114, %get3A_115] {strides = array<i32>} : memref<128x128xf32, #tpu.memory_space<vmem>>, vector<16xf32>,
        %mul3A_117 = arith.mulf %get3A_116, %gather3A : vector<16xf32>
        %swap3A_118 = arith.index_cast %scan3A_86 : i32 to index
        %swap3A_119 = arith.constant 64 : index
        %swap3A_120 = tpu.vector_load %arg15[%swap3A_118, %swap3A_119] {strides = array<i32>} : memref<128x128xf32, #tpu.memory_space<vmem>>, vector<16xf32>,
        tpu.vector_store %arg15[%swap3A_118, %swap3A_119], %mul3A_117 {strides = array<i32>} : memref<128x128xf32, #tpu.memory_space<vmem>>, vector<16xf32>,
        %get3A_121 = arith.index_cast %scan3A_86 : i32 to index
        %get3A_122 = arith.constant 80 : index
        %get3A_123 = tpu.vector_load %arg15[%get3A_121, %get3A_122] {strides = array<i32>} : memref<128x128xf32, #tpu.memory_space<vmem>>, vector<16xf32>,
        %mul3A_124 = arith.mulf %get3A_123, %gather3A : vector<16xf32>
        %swap3A_125 = arith.index_cast %scan3A_86 : i32 to index
        %swap3A_126 = arith.constant 80 : index
        %swap3A_127 = tpu.vector_load %arg15[%swap3A_125, %swap3A_126] {strides = array<i32>} : memref<128x128xf32, #tpu.memory_space<vmem>>, vector<16xf32>,
        tpu.vector_store %arg15[%swap3A_125, %swap3A_126], %mul3A_124 {strides = array<i32>} : memref<128x128xf32, #tpu.memory_space<vmem>>, vector<16xf32>,
        %get3A_128 = arith.index_cast %scan3A_86 : i32 to index
        %get3A_129 = arith.constant 96 : index
        %get3A_130 = tpu.vector_load %arg15[%get3A_128, %get3A_129] {strides = array<i32>} : memref<128x128xf32, #tpu.memory_space<vmem>>, vector<16xf32>,
        %mul3A_131 = arith.mulf %get3A_130, %gather3A : vector<16xf32>
        %swap3A_132 = arith.index_cast %scan3A_86 : i32 to index
        %swap3A_133 = arith.constant 96 : index
        %swap3A_134 = tpu.vector_load %arg15[%swap3A_132, %swap3A_133] {strides = array<i32>} : memref<128x128xf32, #tpu.memory_space<vmem>>, vector<16xf32>,
        tpu.vector_store %arg15[%swap3A_132, %swap3A_133], %mul3A_131 {strides = array<i32>} : memref<128x128xf32, #tpu.memory_space<vmem>>, vector<16xf32>,
        %get3A_135 = arith.index_cast %scan3A_86 : i32 to index
        %get3A_136 = arith.constant 112 : index
        %get3A_137 = tpu.vector_load %arg15[%get3A_135, %get3A_136] {strides = array<i32>} : memref<128x128xf32, #tpu.memory_space<vmem>>, vector<16xf32>,
        %mul3A_138 = arith.mulf %get3A_137, %gather3A : vector<16xf32>
        %swap3A_139 = arith.index_cast %scan3A_86 : i32 to index
        %swap3A_140 = arith.constant 112 : index
        %swap3A_141 = tpu.vector_load %arg15[%swap3A_139, %swap3A_140] {strides = array<i32>} : memref<128x128xf32, #tpu.memory_space<vmem>>, vector<16xf32>,
        tpu.vector_store %arg15[%swap3A_139, %swap3A_140], %mul3A_138 {strides = array<i32>} : memref<128x128xf32, #tpu.memory_space<vmem>>, vector<16xf32>,
        %scan3A_142 = arith.constant 0 : i32
        scf.yield %scan3A_142 : i32
      }
      %scan3A_74 = arith.constant 128 : i32
      %dma_wait3A_75 = arith.constant 0 : i32
      %dma_wait3A_76 = arith.constant 0 : i32
      %dma_wait3A_77 = tpu.memref_slice %arg2[%dma_wait3A_75, %dma_wait3A_76] : memref<20000x128xf32, #tpu.memory_space<hbm>> -> memref<20000x128xf32, #tpu.memory_space<hbm>>
      tpu.wait_indirect_dma semaphore(%arg18 : memref<!tpu.dma_semaphore, #tpu.memory_space<semaphore_mem>>) src(%dma_wait3A_77 : memref<20000x128xf32, #tpu.memory_space<hbm>>) dst(%arg16 : memref<128x128xf32, #tpu.memory_space<vmem>>)
      %scan3A_78 = arith.constant 0 : i32
      %scan3A_79 = arith.constant 0 : i32
      %scan3A_80 = arith.constant 128 : i32
      %scan3A_81 = arith.addi %scan3A_79, %scan3A_80 : i32
      %scan3A_82 = arith.constant 1 : i32
      %scan3A_83 = scf.for %scan3A_86 = %scan3A_79 to %scan3A_81 step %scan3A_82 iter_args(%scan3A_87 = %scan3A_78) -> (i32)  : i32 {
        %broadcast_in_dim3A = vector.broadcast %scan3A_86 : i32 to vector<16xi32>
        %gather3A = tpu.vector_load_idx %arg14[%broadcast_in_dim3A] : memref<128xf32, #tpu.memory_space<vmem>>[vector<16xi32>], vector<16xf32>,
        %get3A = arith.index_cast %scan3A_86 : i32 to index
        %get3A_88 = arith.constant 0 : index
        %get3A_89 = tpu.vector_load %arg16[%get3A, %get3A_88] {strides = array<i32>} : memref<128x128xf32, #tpu.memory_space<vmem>>, vector<16xf32>,
        %mul3A_90 = arith.mulf %get3A_89, %gather3A : vector<16xf32>
        %swap3A = arith.index_cast %scan3A_86 : i32 to index
        %swap3A_91 = arith.constant 0 : index
        %swap3A_92 = tpu.vector_load %arg16[%swap3A, %swap3A_91] {strides = array<i32>} : memref<128x128xf32, #tpu.memory_space<vmem>>, vector<16xf32>,
        tpu.vector_store %arg16[%swap3A, %swap3A_91], %mul3A_90 {strides = array<i32>} : memref<128x128xf32, #tpu.memory_space<vmem>>, vector<16xf32>,
        %get3A_93 = arith.index_cast %scan3A_86 : i32 to index
        %get3A_94 = arith.constant 16 : index
        %get3A_95 = tpu.vector_load %arg16[%get3A_93, %get3A_94] {strides = array<i32>} : memref<128x128xf32, #tpu.memory_space<vmem>>, vector<16xf32>,
        %mul3A_96 = arith.mulf %get3A_95, %gather3A : vector<16xf32>
        %swap3A_97 = arith.index_cast %scan3A_86 : i32 to index
        %swap3A_98 = arith.constant 16 : index
        %swap3A_99 = tpu.vector_load %arg16[%swap3A_97, %swap3A_98] {strides = array<i32>} : memref<128x128xf32, #tpu.memory_space<vmem>>, vector<16xf32>,
        tpu.vector_store %arg16[%swap3A_97, %swap3A_98], %mul3A_96 {strides = array<i32>} : memref<128x128xf32, #tpu.memory_space<vmem>>, vector<16xf32>,
        %get3A_100 = arith.index_cast %scan3A_86 : i32 to index
        %get3A_101 = arith.constant 32 : index
        %get3A_102 = tpu.vector_load %arg16[%get3A_100, %get3A_101] {strides = array<i32>} : memref<128x128xf32, #tpu.memory_space<vmem>>, vector<16xf32>,
        %mul3A_103 = arith.mulf %get3A_102, %gather3A : vector<16xf32>
        %swap3A_104 = arith.index_cast %scan3A_86 : i32 to index
        %swap3A_105 = arith.constant 32 : index
        %swap3A_106 = tpu.vector_load %arg16[%swap3A_104, %swap3A_105] {strides = array<i32>} : memref<128x128xf32, #tpu.memory_space<vmem>>, vector<16xf32>,
        tpu.vector_store %arg16[%swap3A_104, %swap3A_105], %mul3A_103 {strides = array<i32>} : memref<128x128xf32, #tpu.memory_space<vmem>>, vector<16xf32>,
        %get3A_107 = arith.index_cast %scan3A_86 : i32 to index
        %get3A_108 = arith.constant 48 : index
        %get3A_109 = tpu.vector_load %arg16[%get3A_107, %get3A_108] {strides = array<i32>} : memref<128x128xf32, #tpu.memory_space<vmem>>, vector<16xf32>,
        %mul3A_110 = arith.mulf %get3A_109, %gather3A : vector<16xf32>
        %swap3A_111 = arith.index_cast %scan3A_86 : i32 to index
        %swap3A_112 = arith.constant 48 : index
        %swap3A_113 = tpu.vector_load %arg16[%swap3A_111, %swap3A_112] {strides = array<i32>} : memref<128x128xf32, #tpu.memory_space<vmem>>, vector<16xf32>,
        tpu.vector_store %arg16[%swap3A_111, %swap3A_112], %mul3A_110 {strides = array<i32>} : memref<128x128xf32, #tpu.memory_space<vmem>>, vector<16xf32>,
        %get3A_114 = arith.index_cast %scan3A_86 : i32 to index
        %get3A_115 = arith.constant 64 : index
        %get3A_116 = tpu.vector_load %arg16[%get3A_114, %get3A_115] {strides = array<i32>} : memref<128x128xf32, #tpu.memory_space<vmem>>, vector<16xf32>,
        %mul3A_117 = arith.mulf %get3A_116, %gather3A : vector<16xf32>
        %swap3A_118 = arith.index_cast %scan3A_86 : i32 to index
        %swap3A_119 = arith.constant 64 : index
        %swap3A_120 = tpu.vector_load %arg16[%swap3A_118, %swap3A_119] {strides = array<i32>} : memref<128x128xf32, #tpu.memory_space<vmem>>, vector<16xf32>,
        tpu.vector_store %arg16[%swap3A_118, %swap3A_119], %mul3A_117 {strides = array<i32>} : memref<128x128xf32, #tpu.memory_space<vmem>>, vector<16xf32>,
        %get3A_121 = arith.index_cast %scan3A_86 : i32 to index
        %get3A_122 = arith.constant 80 : index
        %get3A_123 = tpu.vector_load %arg16[%get3A_121, %get3A_122] {strides = array<i32>} : memref<128x128xf32, #tpu.memory_space<vmem>>, vector<16xf32>,
        %mul3A_124 = arith.mulf %get3A_123, %gather3A : vector<16xf32>
        %swap3A_125 = arith.index_cast %scan3A_86 : i32 to index
        %swap3A_126 = arith.constant 80 : index
        %swap3A_127 = tpu.vector_load %arg16[%swap3A_125, %swap3A_126] {strides = array<i32>} : memref<128x128xf32, #tpu.memory_space<vmem>>, vector<16xf32>,
        tpu.vector_store %arg16[%swap3A_125, %swap3A_126], %mul3A_124 {strides = array<i32>} : memref<128x128xf32, #tpu.memory_space<vmem>>, vector<16xf32>,
        %get3A_128 = arith.index_cast %scan3A_86 : i32 to index
        %get3A_129 = arith.constant 96 : index
        %get3A_130 = tpu.vector_load %arg16[%get3A_128, %get3A_129] {strides = array<i32>} : memref<128x128xf32, #tpu.memory_space<vmem>>, vector<16xf32>,
        %mul3A_131 = arith.mulf %get3A_130, %gather3A : vector<16xf32>
        %swap3A_132 = arith.index_cast %scan3A_86 : i32 to index
        %swap3A_133 = arith.constant 96 : index
        %swap3A_134 = tpu.vector_load %arg16[%swap3A_132, %swap3A_133] {strides = array<i32>} : memref<128x128xf32, #tpu.memory_space<vmem>>, vector<16xf32>,
        tpu.vector_store %arg16[%swap3A_132, %swap3A_133], %mul3A_131 {strides = array<i32>} : memref<128x128xf32, #tpu.memory_space<vmem>>, vector<16xf32>,
        %get3A_135 = arith.index_cast %scan3A_86 : i32 to index
        %get3A_136 = arith.constant 112 : index
        %get3A_137 = tpu.vector_load %arg16[%get3A_135, %get3A_136] {strides = array<i32>} : memref<128x128xf32, #tpu.memory_space<vmem>>, vector<16xf32>,
        %mul3A_138 = arith.mulf %get3A_137, %gather3A : vector<16xf32>
        %swap3A_139 = arith.index_cast %scan3A_86 : i32 to index
        %swap3A_140 = arith.constant 112 : index
        %swap3A_141 = tpu.vector_load %arg16[%swap3A_139, %swap3A_140] {strides = array<i32>} : memref<128x128xf32, #tpu.memory_space<vmem>>, vector<16xf32>,
        tpu.vector_store %arg16[%swap3A_139, %swap3A_140], %mul3A_138 {strides = array<i32>} : memref<128x128xf32, #tpu.memory_space<vmem>>, vector<16xf32>,
        %scan3A_142 = arith.constant 0 : i32
        scf.yield %scan3A_142 : i32
      }
      %scan3A_84 = arith.constant 128 : i32
      "tpu.region"() ({
        %run_scoped3A = tpu.sem_alloc : memref<!tpu.dma_semaphore, #tpu.memory_space<semaphore_mem>>
        %dma_start3A_86 = arith.constant 0 : i32
        %dma_start3A_87 = arith.constant 0 : i32
        %dma_start3A_88 = tpu.memref_slice %arg8[%dma_start3A_86, %dma_start3A_87] : memref<10000x128xf32, #tpu.memory_space<vmem_shared>> -> memref<10000x128xf32, #tpu.memory_space<vmem_shared>>
        tpu.enqueue_indirect_dma source(%arg15 : memref<128x128xf32, #tpu.memory_space<vmem>>) target(%dma_start3A_88 : memref<10000x128xf32, #tpu.memory_space<vmem_shared>>) offsets(%arg11 : memref<128xi32, #tpu.memory_space<vmem>>) semaphore(%run_scoped3A : memref<!tpu.dma_semaphore, #tpu.memory_space<semaphore_mem>>) {add = true}
        %dma_wait3A_89 = arith.constant 0 : i32
        %dma_wait3A_90 = arith.constant 0 : i32
        %dma_wait3A_91 = tpu.memref_slice %arg8[%dma_wait3A_89, %dma_wait3A_90] : memref<10000x128xf32, #tpu.memory_space<vmem_shared>> -> memref<10000x128xf32, #tpu.memory_space<vmem_shared>>
        tpu.wait_indirect_dma semaphore(%run_scoped3A : memref<!tpu.dma_semaphore, #tpu.memory_space<semaphore_mem>>) src(%arg15 : memref<128x128xf32, #tpu.memory_space<vmem>>) dst(%dma_wait3A_91 : memref<10000x128xf32, #tpu.memory_space<vmem_shared>>)
        tpu.yield
      }) : () -> ()
      "tpu.region"() ({
        %run_scoped3A = tpu.sem_alloc : memref<!tpu.dma_semaphore, #tpu.memory_space<semaphore_mem>>
        %dma_start3A_86 = arith.constant 0 : i32
        %dma_start3A_87 = arith.constant 0 : i32
        %dma_start3A_88 = tpu.memref_slice %arg8[%dma_start3A_86, %dma_start3A_87] : memref<10000x128xf32, #tpu.memory_space<vmem_shared>> -> memref<10000x128xf32, #tpu.memory_space<vmem_shared>>
        tpu.enqueue_indirect_dma source(%arg16 : memref<128x128xf32, #tpu.memory_space<vmem>>) target(%dma_start3A_88 : memref<10000x128xf32, #tpu.memory_space<vmem_shared>>) offsets(%arg12 : memref<128xi32, #tpu.memory_space<vmem>>) semaphore(%run_scoped3A : memref<!tpu.dma_semaphore, #tpu.memory_space<semaphore_mem>>) {add = true}
        %dma_wait3A_89 = arith.constant 0 : i32
        %dma_wait3A_90 = arith.constant 0 : i32
        %dma_wait3A_91 = tpu.memref_slice %arg8[%dma_wait3A_89, %dma_wait3A_90] : memref<10000x128xf32, #tpu.memory_space<vmem_shared>> -> memref<10000x128xf32, #tpu.memory_space<vmem_shared>>
        tpu.wait_indirect_dma semaphore(%run_scoped3A : memref<!tpu.dma_semaphore, #tpu.memory_space<semaphore_mem>>) src(%arg16 : memref<128x128xf32, #tpu.memory_space<vmem>>) dst(%dma_wait3A_91 : memref<10000x128xf32, #tpu.memory_space<vmem_shared>>)
        tpu.yield
      }) : () -> ()
      %while3A_85 = arith.constant 0 : i32
      scf.yield %while3A_85 : i32
    }
    %while3A_29 = arith.constant 1 : i32
    %while3A_30 = scf.for %while3A_42 = %while3A_26 to %while3A_22 step %while3A_29 iter_args(%while3A_43 = %while3A_28) -> (i32)  : i32 {
      %mul3A_44 = arith.constant 16 : i32
      %mul3A_45 = arith.muli %while3A_42, %mul3A_44 : i32
      %add3A_46 = arith.addi %arg1, %mul3A_45 : i32
      %mul3A_47 = arith.constant 256 : i32
      %mul3A_48 = arith.muli %add3A_46, %mul3A_47 : i32
      %add3A_49 = arith.constant 0 : i32
      %add3A_50 = arith.addi %mul3A_48, %add3A_49 : i32
      "tpu.region"() ({
        %run_scoped3A = tpu.sem_alloc : memref<!tpu.dma_semaphore, #tpu.memory_space<semaphore_mem>>
        %dma_start3A_86 = tpu.memref_slice %arg3[%arg0, %add3A_50] : memref<2x320000xi32, #tpu.memory_space<hbm>> -> memref<1x128xi32, #tpu.memory_space<hbm>>
        %dma_start3A_87 = tpu.memref_squeeze %dma_start3A_86 : memref<1x128xi32, #tpu.memory_space<hbm>> -> memref<128xi32, #tpu.memory_space<hbm>>
        %dma_start3A_88 = tpu.memref_slice %arg3[%arg0, %add3A_50] : memref<2x320000xi32, #tpu.memory_space<hbm>> -> memref<1x128xi32, #tpu.memory_space<hbm>>
        %dma_start3A_89 = tpu.memref_squeeze %dma_start3A_88 : memref<1x128xi32, #tpu.memory_space<hbm>> -> memref<128xi32, #tpu.memory_space<hbm>>
        tpu.enqueue_dma source(%dma_start3A_89 : memref<128xi32, #tpu.memory_space<hbm>>) target(%arg9 : memref<128xi32, #tpu.memory_space<vmem>>) target_semaphore(%run_scoped3A : memref<!tpu.dma_semaphore, #tpu.memory_space<semaphore_mem>>)
        %dma_wait3A_90 = tpu.memref_slice %arg3[%arg0, %add3A_50] : memref<2x320000xi32, #tpu.memory_space<hbm>> -> memref<1x128xi32, #tpu.memory_space<hbm>>
        %dma_wait3A_91 = tpu.memref_squeeze %dma_wait3A_90 : memref<1x128xi32, #tpu.memory_space<hbm>> -> memref<128xi32, #tpu.memory_space<hbm>>
        %dma_wait3A_92 = tpu.memref_slice %arg3[%arg0, %add3A_50] : memref<2x320000xi32, #tpu.memory_space<hbm>> -> memref<1x128xi32, #tpu.memory_space<hbm>>
        %dma_wait3A_93 = tpu.memref_squeeze %dma_wait3A_92 : memref<1x128xi32, #tpu.memory_space<hbm>> -> memref<128xi32, #tpu.memory_space<hbm>>
        tpu.wait_dma2 semaphore(%run_scoped3A : memref<!tpu.dma_semaphore, #tpu.memory_space<semaphore_mem>>) src(%dma_wait3A_93 : memref<128xi32, #tpu.memory_space<hbm>>) dst(%arg9 : memref<128xi32, #tpu.memory_space<vmem>>)
        tpu.yield
      }) : () -> ()
      %add3A_51 = arith.constant 0 : i32
      %add3A_52 = arith.addi %mul3A_48, %add3A_51 : i32
      "tpu.region"() ({
        %run_scoped3A = tpu.sem_alloc : memref<!tpu.dma_semaphore, #tpu.memory_space<semaphore_mem>>
        %dma_start3A_86 = tpu.memref_slice %arg4[%arg0, %add3A_52] : memref<2x320000xi32, #tpu.memory_space<hbm>> -> memref<1x128xi32, #tpu.memory_space<hbm>>
        %dma_start3A_87 = tpu.memref_squeeze %dma_start3A_86 : memref<1x128xi32, #tpu.memory_space<hbm>> -> memref<128xi32, #tpu.memory_space<hbm>>
        %dma_start3A_88 = tpu.memref_slice %arg4[%arg0, %add3A_52] : memref<2x320000xi32, #tpu.memory_space<hbm>> -> memref<1x128xi32, #tpu.memory_space<hbm>>
        %dma_start3A_89 = tpu.memref_squeeze %dma_start3A_88 : memref<1x128xi32, #tpu.memory_space<hbm>> -> memref<128xi32, #tpu.memory_space<hbm>>
        tpu.enqueue_dma source(%dma_start3A_89 : memref<128xi32, #tpu.memory_space<hbm>>) target(%arg11 : memref<128xi32, #tpu.memory_space<vmem>>) target_semaphore(%run_scoped3A : memref<!tpu.dma_semaphore, #tpu.memory_space<semaphore_mem>>)
        %dma_wait3A_90 = tpu.memref_slice %arg4[%arg0, %add3A_52] : memref<2x320000xi32, #tpu.memory_space<hbm>> -> memref<1x128xi32, #tpu.memory_space<hbm>>
        %dma_wait3A_91 = tpu.memref_squeeze %dma_wait3A_90 : memref<1x128xi32, #tpu.memory_space<hbm>> -> memref<128xi32, #tpu.memory_space<hbm>>
        %dma_wait3A_92 = tpu.memref_slice %arg4[%arg0, %add3A_52] : memref<2x320000xi32, #tpu.memory_space<hbm>> -> memref<1x128xi32, #tpu.memory_space<hbm>>
        %dma_wait3A_93 = tpu.memref_squeeze %dma_wait3A_92 : memref<1x128xi32, #tpu.memory_space<hbm>> -> memref<128xi32, #tpu.memory_space<hbm>>
        tpu.wait_dma2 semaphore(%run_scoped3A : memref<!tpu.dma_semaphore, #tpu.memory_space<semaphore_mem>>) src(%dma_wait3A_93 : memref<128xi32, #tpu.memory_space<hbm>>) dst(%arg11 : memref<128xi32, #tpu.memory_space<vmem>>)
        tpu.yield
      }) : () -> ()
      %add3A_53 = arith.constant 0 : i32
      %add3A_54 = arith.addi %mul3A_48, %add3A_53 : i32
      "tpu.region"() ({
        %run_scoped3A = tpu.sem_alloc : memref<!tpu.dma_semaphore, #tpu.memory_space<semaphore_mem>>
        %dma_start3A_86 = tpu.memref_slice %arg5[%add3A_54] : memref<320000xf32, #tpu.memory_space<hbm>> -> memref<128xf32, #tpu.memory_space<hbm>>
        %dma_start3A_87 = tpu.memref_slice %arg5[%add3A_54] : memref<320000xf32, #tpu.memory_space<hbm>> -> memref<128xf32, #tpu.memory_space<hbm>>
        tpu.enqueue_dma source(%dma_start3A_87 : memref<128xf32, #tpu.memory_space<hbm>>) target(%arg13 : memref<128xf32, #tpu.memory_space<vmem>>) target_semaphore(%run_scoped3A : memref<!tpu.dma_semaphore, #tpu.memory_space<semaphore_mem>>)
        %dma_wait3A_88 = tpu.memref_slice %arg5[%add3A_54] : memref<320000xf32, #tpu.memory_space<hbm>> -> memref<128xf32, #tpu.memory_space<hbm>>
        %dma_wait3A_89 = tpu.memref_slice %arg5[%add3A_54] : memref<320000xf32, #tpu.memory_space<hbm>> -> memref<128xf32, #tpu.memory_space<hbm>>
        tpu.wait_dma2 semaphore(%run_scoped3A : memref<!tpu.dma_semaphore, #tpu.memory_space<semaphore_mem>>) src(%dma_wait3A_89 : memref<128xf32, #tpu.memory_space<hbm>>) dst(%arg13 : memref<128xf32, #tpu.memory_space<vmem>>)
        tpu.yield
      }) : () -> ()
      %add3A_55 = arith.constant 128 : i32
      %add3A_56 = arith.addi %mul3A_48, %add3A_55 : i32
      "tpu.region"() ({
        %run_scoped3A = tpu.sem_alloc : memref<!tpu.dma_semaphore, #tpu.memory_space<semaphore_mem>>
        %dma_start3A_86 = tpu.memref_slice %arg3[%arg0, %add3A_56] : memref<2x320000xi32, #tpu.memory_space<hbm>> -> memref<1x128xi32, #tpu.memory_space<hbm>>
        %dma_start3A_87 = tpu.memref_squeeze %dma_start3A_86 : memref<1x128xi32, #tpu.memory_space<hbm>> -> memref<128xi32, #tpu.memory_space<hbm>>
        %dma_start3A_88 = tpu.memref_slice %arg3[%arg0, %add3A_56] : memref<2x320000xi32, #tpu.memory_space<hbm>> -> memref<1x128xi32, #tpu.memory_space<hbm>>
        %dma_start3A_89 = tpu.memref_squeeze %dma_start3A_88 : memref<1x128xi32, #tpu.memory_space<hbm>> -> memref<128xi32, #tpu.memory_space<hbm>>
        tpu.enqueue_dma source(%dma_start3A_89 : memref<128xi32, #tpu.memory_space<hbm>>) target(%arg10 : memref<128xi32, #tpu.memory_space<vmem>>) target_semaphore(%run_scoped3A : memref<!tpu.dma_semaphore, #tpu.memory_space<semaphore_mem>>)
        %dma_wait3A_90 = tpu.memref_slice %arg3[%arg0, %add3A_56] : memref<2x320000xi32, #tpu.memory_space<hbm>> -> memref<1x128xi32, #tpu.memory_space<hbm>>
        %dma_wait3A_91 = tpu.memref_squeeze %dma_wait3A_90 : memref<1x128xi32, #tpu.memory_space<hbm>> -> memref<128xi32, #tpu.memory_space<hbm>>
        %dma_wait3A_92 = tpu.memref_slice %arg3[%arg0, %add3A_56] : memref<2x320000xi32, #tpu.memory_space<hbm>> -> memref<1x128xi32, #tpu.memory_space<hbm>>
        %dma_wait3A_93 = tpu.memref_squeeze %dma_wait3A_92 : memref<1x128xi32, #tpu.memory_space<hbm>> -> memref<128xi32, #tpu.memory_space<hbm>>
        tpu.wait_dma2 semaphore(%run_scoped3A : memref<!tpu.dma_semaphore, #tpu.memory_space<semaphore_mem>>) src(%dma_wait3A_93 : memref<128xi32, #tpu.memory_space<hbm>>) dst(%arg10 : memref<128xi32, #tpu.memory_space<vmem>>)
        tpu.yield
      }) : () -> ()
      %add3A_57 = arith.constant 128 : i32
      %add3A_58 = arith.addi %mul3A_48, %add3A_57 : i32
      "tpu.region"() ({
        %run_scoped3A = tpu.sem_alloc : memref<!tpu.dma_semaphore, #tpu.memory_space<semaphore_mem>>
        %dma_start3A_86 = tpu.memref_slice %arg4[%arg0, %add3A_58] : memref<2x320000xi32, #tpu.memory_space<hbm>> -> memref<1x128xi32, #tpu.memory_space<hbm>>
        %dma_start3A_87 = tpu.memref_squeeze %dma_start3A_86 : memref<1x128xi32, #tpu.memory_space<hbm>> -> memref<128xi32, #tpu.memory_space<hbm>>
        %dma_start3A_88 = tpu.memref_slice %arg4[%arg0, %add3A_58] : memref<2x320000xi32, #tpu.memory_space<hbm>> -> memref<1x128xi32, #tpu.memory_space<hbm>>
        %dma_start3A_89 = tpu.memref_squeeze %dma_start3A_88 : memref<1x128xi32, #tpu.memory_space<hbm>> -> memref<128xi32, #tpu.memory_space<hbm>>
        tpu.enqueue_dma source(%dma_start3A_89 : memref<128xi32, #tpu.memory_space<hbm>>) target(%arg12 : memref<128xi32, #tpu.memory_space<vmem>>) target_semaphore(%run_scoped3A : memref<!tpu.dma_semaphore, #tpu.memory_space<semaphore_mem>>)
        %dma_wait3A_90 = tpu.memref_slice %arg4[%arg0, %add3A_58] : memref<2x320000xi32, #tpu.memory_space<hbm>> -> memref<1x128xi32, #tpu.memory_space<hbm>>
        %dma_wait3A_91 = tpu.memref_squeeze %dma_wait3A_90 : memref<1x128xi32, #tpu.memory_space<hbm>> -> memref<128xi32, #tpu.memory_space<hbm>>
        %dma_wait3A_92 = tpu.memref_slice %arg4[%arg0, %add3A_58] : memref<2x320000xi32, #tpu.memory_space<hbm>> -> memref<1x128xi32, #tpu.memory_space<hbm>>
        %dma_wait3A_93 = tpu.memref_squeeze %dma_wait3A_92 : memref<1x128xi32, #tpu.memory_space<hbm>> -> memref<128xi32, #tpu.memory_space<hbm>>
        tpu.wait_dma2 semaphore(%run_scoped3A : memref<!tpu.dma_semaphore, #tpu.memory_space<semaphore_mem>>) src(%dma_wait3A_93 : memref<128xi32, #tpu.memory_space<hbm>>) dst(%arg12 : memref<128xi32, #tpu.memory_space<vmem>>)
        tpu.yield
      }) : () -> ()
      %add3A_59 = arith.constant 128 : i32
      %add3A_60 = arith.addi %mul3A_48, %add3A_59 : i32
      "tpu.region"() ({
        %run_scoped3A = tpu.sem_alloc : memref<!tpu.dma_semaphore, #tpu.memory_space<semaphore_mem>>
        %dma_start3A_86 = tpu.memref_slice %arg5[%add3A_60] : memref<320000xf32, #tpu.memory_space<hbm>> -> memref<128xf32, #tpu.memory_space<hbm>>
        %dma_start3A_87 = tpu.memref_slice %arg5[%add3A_60] : memref<320000xf32, #tpu.memory_space<hbm>> -> memref<128xf32, #tpu.memory_space<hbm>>
        tpu.enqueue_dma source(%dma_start3A_87 : memref<128xf32, #tpu.memory_space<hbm>>) target(%arg14 : memref<128xf32, #tpu.memory_space<vmem>>) target_semaphore(%run_scoped3A : memref<!tpu.dma_semaphore, #tpu.memory_space<semaphore_mem>>)
        %dma_wait3A_88 = tpu.memref_slice %arg5[%add3A_60] : memref<320000xf32, #tpu.memory_space<hbm>> -> memref<128xf32, #tpu.memory_space<hbm>>
        %dma_wait3A_89 = tpu.memref_slice %arg5[%add3A_60] : memref<320000xf32, #tpu.memory_space<hbm>> -> memref<128xf32, #tpu.memory_space<hbm>>
        tpu.wait_dma2 semaphore(%run_scoped3A : memref<!tpu.dma_semaphore, #tpu.memory_space<semaphore_mem>>) src(%dma_wait3A_89 : memref<128xf32, #tpu.memory_space<hbm>>) dst(%arg14 : memref<128xf32, #tpu.memory_space<vmem>>)
        tpu.yield
      }) : () -> ()
      %dma_start3A = arith.constant 0 : i32
      %dma_start3A_61 = arith.constant 0 : i32
      %dma_start3A_62 = tpu.memref_slice %arg2[%dma_start3A, %dma_start3A_61] : memref<20000x128xf32, #tpu.memory_space<hbm>> -> memref<20000x128xf32, #tpu.memory_space<hbm>>
      tpu.enqueue_indirect_dma source(%dma_start3A_62 : memref<20000x128xf32, #tpu.memory_space<hbm>>) target(%arg15 : memref<128x128xf32, #tpu.memory_space<vmem>>) offsets(%arg9 : memref<128xi32, #tpu.memory_space<vmem>>) semaphore(%arg17 : memref<!tpu.dma_semaphore, #tpu.memory_space<semaphore_mem>>)
      %dma_start3A_63 = arith.constant 0 : i32
      %dma_start3A_64 = arith.constant 0 : i32
      %dma_start3A_65 = tpu.memref_slice %arg2[%dma_start3A_63, %dma_start3A_64] : memref<20000x128xf32, #tpu.memory_space<hbm>> -> memref<20000x128xf32, #tpu.memory_space<hbm>>
      tpu.enqueue_indirect_dma source(%dma_start3A_65 : memref<20000x128xf32, #tpu.memory_space<hbm>>) target(%arg16 : memref<128x128xf32, #tpu.memory_space<vmem>>) offsets(%arg10 : memref<128xi32, #tpu.memory_space<vmem>>) semaphore(%arg18 : memref<!tpu.dma_semaphore, #tpu.memory_space<semaphore_mem>>)
      %dma_wait3A = arith.constant 0 : i32
      %dma_wait3A_66 = arith.constant 0 : i32
      %dma_wait3A_67 = tpu.memref_slice %arg2[%dma_wait3A, %dma_wait3A_66] : memref<20000x128xf32, #tpu.memory_space<hbm>> -> memref<20000x128xf32, #tpu.memory_space<hbm>>
      tpu.wait_indirect_dma semaphore(%arg17 : memref<!tpu.dma_semaphore, #tpu.memory_space<semaphore_mem>>) src(%dma_wait3A_67 : memref<20000x128xf32, #tpu.memory_space<hbm>>) dst(%arg15 : memref<128x128xf32, #tpu.memory_space<vmem>>)
      %scan3A_68 = arith.constant 0 : i32
      %scan3A_69 = arith.constant 0 : i32
      %scan3A_70 = arith.constant 128 : i32
      %scan3A_71 = arith.addi %scan3A_69, %scan3A_70 : i32
      %scan3A_72 = arith.constant 1 : i32
      %scan3A_73 = scf.for %scan3A_86 = %scan3A_69 to %scan3A_71 step %scan3A_72 iter_args(%scan3A_87 = %scan3A_68) -> (i32)  : i32 {
        %broadcast_in_dim3A = vector.broadcast %scan3A_86 : i32 to vector<16xi32>
        %gather3A = tpu.vector_load_idx %arg13[%broadcast_in_dim3A] : memref<128xf32, #tpu.memory_space<vmem>>[vector<16xi32>], vector<16xf32>,
        %get3A = arith.index_cast %scan3A_86 : i32 to index
        %get3A_88 = arith.constant 0 : index
        %get3A_89 = tpu.vector_load %arg15[%get3A, %get3A_88] {strides = array<i32>} : memref<128x128xf32, #tpu.memory_space<vmem>>, vector<16xf32>,
        %mul3A_90 = arith.mulf %get3A_89, %gather3A : vector<16xf32>
        %swap3A = arith.index_cast %scan3A_86 : i32 to index
        %swap3A_91 = arith.constant 0 : index
        %swap3A_92 = tpu.vector_load %arg15[%swap3A, %swap3A_91] {strides = array<i32>} : memref<128x128xf32, #tpu.memory_space<vmem>>, vector<16xf32>,
        tpu.vector_store %arg15[%swap3A, %swap3A_91], %mul3A_90 {strides = array<i32>} : memref<128x128xf32, #tpu.memory_space<vmem>>, vector<16xf32>,
        %get3A_93 = arith.index_cast %scan3A_86 : i32 to index
        %get3A_94 = arith.constant 16 : index
        %get3A_95 = tpu.vector_load %arg15[%get3A_93, %get3A_94] {strides = array<i32>} : memref<128x128xf32, #tpu.memory_space<vmem>>, vector<16xf32>,
        %mul3A_96 = arith.mulf %get3A_95, %gather3A : vector<16xf32>
        %swap3A_97 = arith.index_cast %scan3A_86 : i32 to index
        %swap3A_98 = arith.constant 16 : index
        %swap3A_99 = tpu.vector_load %arg15[%swap3A_97, %swap3A_98] {strides = array<i32>} : memref<128x128xf32, #tpu.memory_space<vmem>>, vector<16xf32>,
        tpu.vector_store %arg15[%swap3A_97, %swap3A_98], %mul3A_96 {strides = array<i32>} : memref<128x128xf32, #tpu.memory_space<vmem>>, vector<16xf32>,
        %get3A_100 = arith.index_cast %scan3A_86 : i32 to index
        %get3A_101 = arith.constant 32 : index
        %get3A_102 = tpu.vector_load %arg15[%get3A_100, %get3A_101] {strides = array<i32>} : memref<128x128xf32, #tpu.memory_space<vmem>>, vector<16xf32>,
        %mul3A_103 = arith.mulf %get3A_102, %gather3A : vector<16xf32>
        %swap3A_104 = arith.index_cast %scan3A_86 : i32 to index
        %swap3A_105 = arith.constant 32 : index
        %swap3A_106 = tpu.vector_load %arg15[%swap3A_104, %swap3A_105] {strides = array<i32>} : memref<128x128xf32, #tpu.memory_space<vmem>>, vector<16xf32>,
        tpu.vector_store %arg15[%swap3A_104, %swap3A_105], %mul3A_103 {strides = array<i32>} : memref<128x128xf32, #tpu.memory_space<vmem>>, vector<16xf32>,
        %get3A_107 = arith.index_cast %scan3A_86 : i32 to index
        %get3A_108 = arith.constant 48 : index
        %get3A_109 = tpu.vector_load %arg15[%get3A_107, %get3A_108] {strides = array<i32>} : memref<128x128xf32, #tpu.memory_space<vmem>>, vector<16xf32>,
        %mul3A_110 = arith.mulf %get3A_109, %gather3A : vector<16xf32>
        %swap3A_111 = arith.index_cast %scan3A_86 : i32 to index
        %swap3A_112 = arith.constant 48 : index
        %swap3A_113 = tpu.vector_load %arg15[%swap3A_111, %swap3A_112] {strides = array<i32>} : memref<128x128xf32, #tpu.memory_space<vmem>>, vector<16xf32>,
        tpu.vector_store %arg15[%swap3A_111, %swap3A_112], %mul3A_110 {strides = array<i32>} : memref<128x128xf32, #tpu.memory_space<vmem>>, vector<16xf32>,
        %get3A_114 = arith.index_cast %scan3A_86 : i32 to index
        %get3A_115 = arith.constant 64 : index
        %get3A_116 = tpu.vector_load %arg15[%get3A_114, %get3A_115] {strides = array<i32>} : memref<128x128xf32, #tpu.memory_space<vmem>>, vector<16xf32>,
        %mul3A_117 = arith.mulf %get3A_116, %gather3A : vector<16xf32>
        %swap3A_118 = arith.index_cast %scan3A_86 : i32 to index
        %swap3A_119 = arith.constant 64 : index
        %swap3A_120 = tpu.vector_load %arg15[%swap3A_118, %swap3A_119] {strides = array<i32>} : memref<128x128xf32, #tpu.memory_space<vmem>>, vector<16xf32>,
        tpu.vector_store %arg15[%swap3A_118, %swap3A_119], %mul3A_117 {strides = array<i32>} : memref<128x128xf32, #tpu.memory_space<vmem>>, vector<16xf32>,
        %get3A_121 = arith.index_cast %scan3A_86 : i32 to index
        %get3A_122 = arith.constant 80 : index
        %get3A_123 = tpu.vector_load %arg15[%get3A_121, %get3A_122] {strides = array<i32>} : memref<128x128xf32, #tpu.memory_space<vmem>>, vector<16xf32>,
        %mul3A_124 = arith.mulf %get3A_123, %gather3A : vector<16xf32>
        %swap3A_125 = arith.index_cast %scan3A_86 : i32 to index
        %swap3A_126 = arith.constant 80 : index
        %swap3A_127 = tpu.vector_load %arg15[%swap3A_125, %swap3A_126] {strides = array<i32>} : memref<128x128xf32, #tpu.memory_space<vmem>>, vector<16xf32>,
        tpu.vector_store %arg15[%swap3A_125, %swap3A_126], %mul3A_124 {strides = array<i32>} : memref<128x128xf32, #tpu.memory_space<vmem>>, vector<16xf32>,
        %get3A_128 = arith.index_cast %scan3A_86 : i32 to index
        %get3A_129 = arith.constant 96 : index
        %get3A_130 = tpu.vector_load %arg15[%get3A_128, %get3A_129] {strides = array<i32>} : memref<128x128xf32, #tpu.memory_space<vmem>>, vector<16xf32>,
        %mul3A_131 = arith.mulf %get3A_130, %gather3A : vector<16xf32>
        %swap3A_132 = arith.index_cast %scan3A_86 : i32 to index
        %swap3A_133 = arith.constant 96 : index
        %swap3A_134 = tpu.vector_load %arg15[%swap3A_132, %swap3A_133] {strides = array<i32>} : memref<128x128xf32, #tpu.memory_space<vmem>>, vector<16xf32>,
        tpu.vector_store %arg15[%swap3A_132, %swap3A_133], %mul3A_131 {strides = array<i32>} : memref<128x128xf32, #tpu.memory_space<vmem>>, vector<16xf32>,
        %get3A_135 = arith.index_cast %scan3A_86 : i32 to index
        %get3A_136 = arith.constant 112 : index
        %get3A_137 = tpu.vector_load %arg15[%get3A_135, %get3A_136] {strides = array<i32>} : memref<128x128xf32, #tpu.memory_space<vmem>>, vector<16xf32>,
        %mul3A_138 = arith.mulf %get3A_137, %gather3A : vector<16xf32>
        %swap3A_139 = arith.index_cast %scan3A_86 : i32 to index
        %swap3A_140 = arith.constant 112 : index
        %swap3A_141 = tpu.vector_load %arg15[%swap3A_139, %swap3A_140] {strides = array<i32>} : memref<128x128xf32, #tpu.memory_space<vmem>>, vector<16xf32>,
        tpu.vector_store %arg15[%swap3A_139, %swap3A_140], %mul3A_138 {strides = array<i32>} : memref<128x128xf32, #tpu.memory_space<vmem>>, vector<16xf32>,
        %scan3A_142 = arith.constant 0 : i32
        scf.yield %scan3A_142 : i32
      }
      %scan3A_74 = arith.constant 128 : i32
      %dma_wait3A_75 = arith.constant 0 : i32
      %dma_wait3A_76 = arith.constant 0 : i32
      %dma_wait3A_77 = tpu.memref_slice %arg2[%dma_wait3A_75, %dma_wait3A_76] : memref<20000x128xf32, #tpu.memory_space<hbm>> -> memref<20000x128xf32, #tpu.memory_space<hbm>>
      tpu.wait_indirect_dma semaphore(%arg18 : memref<!tpu.dma_semaphore, #tpu.memory_space<semaphore_mem>>) src(%dma_wait3A_77 : memref<20000x128xf32, #tpu.memory_space<hbm>>) dst(%arg16 : memref<128x128xf32, #tpu.memory_space<vmem>>)
      %scan3A_78 = arith.constant 0 : i32
      %scan3A_79 = arith.constant 0 : i32
      %scan3A_80 = arith.constant 128 : i32
      %scan3A_81 = arith.addi %scan3A_79, %scan3A_80 : i32
      %scan3A_82 = arith.constant 1 : i32
      %scan3A_83 = scf.for %scan3A_86 = %scan3A_79 to %scan3A_81 step %scan3A_82 iter_args(%scan3A_87 = %scan3A_78) -> (i32)  : i32 {
        %broadcast_in_dim3A = vector.broadcast %scan3A_86 : i32 to vector<16xi32>
        %gather3A = tpu.vector_load_idx %arg14[%broadcast_in_dim3A] : memref<128xf32, #tpu.memory_space<vmem>>[vector<16xi32>], vector<16xf32>,
        %get3A = arith.index_cast %scan3A_86 : i32 to index
        %get3A_88 = arith.constant 0 : index
        %get3A_89 = tpu.vector_load %arg16[%get3A, %get3A_88] {strides = array<i32>} : memref<128x128xf32, #tpu.memory_space<vmem>>, vector<16xf32>,
        %mul3A_90 = arith.mulf %get3A_89, %gather3A : vector<16xf32>
        %swap3A = arith.index_cast %scan3A_86 : i32 to index
        %swap3A_91 = arith.constant 0 : index
        %swap3A_92 = tpu.vector_load %arg16[%swap3A, %swap3A_91] {strides = array<i32>} : memref<128x128xf32, #tpu.memory_space<vmem>>, vector<16xf32>,
        tpu.vector_store %arg16[%swap3A, %swap3A_91], %mul3A_90 {strides = array<i32>} : memref<128x128xf32, #tpu.memory_space<vmem>>, vector<16xf32>,
        %get3A_93 = arith.index_cast %scan3A_86 : i32 to index
        %get3A_94 = arith.constant 16 : index
        %get3A_95 = tpu.vector_load %arg16[%get3A_93, %get3A_94] {strides = array<i32>} : memref<128x128xf32, #tpu.memory_space<vmem>>, vector<16xf32>,
        %mul3A_96 = arith.mulf %get3A_95, %gather3A : vector<16xf32>
        %swap3A_97 = arith.index_cast %scan3A_86 : i32 to index
        %swap3A_98 = arith.constant 16 : index
        %swap3A_99 = tpu.vector_load %arg16[%swap3A_97, %swap3A_98] {strides = array<i32>} : memref<128x128xf32, #tpu.memory_space<vmem>>, vector<16xf32>,
        tpu.vector_store %arg16[%swap3A_97, %swap3A_98], %mul3A_96 {strides = array<i32>} : memref<128x128xf32, #tpu.memory_space<vmem>>, vector<16xf32>,
        %get3A_100 = arith.index_cast %scan3A_86 : i32 to index
        %get3A_101 = arith.constant 32 : index
        %get3A_102 = tpu.vector_load %arg16[%get3A_100, %get3A_101] {strides = array<i32>} : memref<128x128xf32, #tpu.memory_space<vmem>>, vector<16xf32>,
        %mul3A_103 = arith.mulf %get3A_102, %gather3A : vector<16xf32>
        %swap3A_104 = arith.index_cast %scan3A_86 : i32 to index
        %swap3A_105 = arith.constant 32 : index
        %swap3A_106 = tpu.vector_load %arg16[%swap3A_104, %swap3A_105] {strides = array<i32>} : memref<128x128xf32, #tpu.memory_space<vmem>>, vector<16xf32>,
        tpu.vector_store %arg16[%swap3A_104, %swap3A_105], %mul3A_103 {strides = array<i32>} : memref<128x128xf32, #tpu.memory_space<vmem>>, vector<16xf32>,
        %get3A_107 = arith.index_cast %scan3A_86 : i32 to index
        %get3A_108 = arith.constant 48 : index
        %get3A_109 = tpu.vector_load %arg16[%get3A_107, %get3A_108] {strides = array<i32>} : memref<128x128xf32, #tpu.memory_space<vmem>>, vector<16xf32>,
        %mul3A_110 = arith.mulf %get3A_109, %gather3A : vector<16xf32>
        %swap3A_111 = arith.index_cast %scan3A_86 : i32 to index
        %swap3A_112 = arith.constant 48 : index
        %swap3A_113 = tpu.vector_load %arg16[%swap3A_111, %swap3A_112] {strides = array<i32>} : memref<128x128xf32, #tpu.memory_space<vmem>>, vector<16xf32>,
        tpu.vector_store %arg16[%swap3A_111, %swap3A_112], %mul3A_110 {strides = array<i32>} : memref<128x128xf32, #tpu.memory_space<vmem>>, vector<16xf32>,
        %get3A_114 = arith.index_cast %scan3A_86 : i32 to index
        %get3A_115 = arith.constant 64 : index
        %get3A_116 = tpu.vector_load %arg16[%get3A_114, %get3A_115] {strides = array<i32>} : memref<128x128xf32, #tpu.memory_space<vmem>>, vector<16xf32>,
        %mul3A_117 = arith.mulf %get3A_116, %gather3A : vector<16xf32>
        %swap3A_118 = arith.index_cast %scan3A_86 : i32 to index
        %swap3A_119 = arith.constant 64 : index
        %swap3A_120 = tpu.vector_load %arg16[%swap3A_118, %swap3A_119] {strides = array<i32>} : memref<128x128xf32, #tpu.memory_space<vmem>>, vector<16xf32>,
        tpu.vector_store %arg16[%swap3A_118, %swap3A_119], %mul3A_117 {strides = array<i32>} : memref<128x128xf32, #tpu.memory_space<vmem>>, vector<16xf32>,
        %get3A_121 = arith.index_cast %scan3A_86 : i32 to index
        %get3A_122 = arith.constant 80 : index
        %get3A_123 = tpu.vector_load %arg16[%get3A_121, %get3A_122] {strides = array<i32>} : memref<128x128xf32, #tpu.memory_space<vmem>>, vector<16xf32>,
        %mul3A_124 = arith.mulf %get3A_123, %gather3A : vector<16xf32>
        %swap3A_125 = arith.index_cast %scan3A_86 : i32 to index
        %swap3A_126 = arith.constant 80 : index
        %swap3A_127 = tpu.vector_load %arg16[%swap3A_125, %swap3A_126] {strides = array<i32>} : memref<128x128xf32, #tpu.memory_space<vmem>>, vector<16xf32>,
        tpu.vector_store %arg16[%swap3A_125, %swap3A_126], %mul3A_124 {strides = array<i32>} : memref<128x128xf32, #tpu.memory_space<vmem>>, vector<16xf32>,
        %get3A_128 = arith.index_cast %scan3A_86 : i32 to index
        %get3A_129 = arith.constant 96 : index
        %get3A_130 = tpu.vector_load %arg16[%get3A_128, %get3A_129] {strides = array<i32>} : memref<128x128xf32, #tpu.memory_space<vmem>>, vector<16xf32>,
        %mul3A_131 = arith.mulf %get3A_130, %gather3A : vector<16xf32>
        %swap3A_132 = arith.index_cast %scan3A_86 : i32 to index
        %swap3A_133 = arith.constant 96 : index
        %swap3A_134 = tpu.vector_load %arg16[%swap3A_132, %swap3A_133] {strides = array<i32>} : memref<128x128xf32, #tpu.memory_space<vmem>>, vector<16xf32>,
        tpu.vector_store %arg16[%swap3A_132, %swap3A_133], %mul3A_131 {strides = array<i32>} : memref<128x128xf32, #tpu.memory_space<vmem>>, vector<16xf32>,
        %get3A_135 = arith.index_cast %scan3A_86 : i32 to index
        %get3A_136 = arith.constant 112 : index
        %get3A_137 = tpu.vector_load %arg16[%get3A_135, %get3A_136] {strides = array<i32>} : memref<128x128xf32, #tpu.memory_space<vmem>>, vector<16xf32>,
        %mul3A_138 = arith.mulf %get3A_137, %gather3A : vector<16xf32>
        %swap3A_139 = arith.index_cast %scan3A_86 : i32 to index
        %swap3A_140 = arith.constant 112 : index
        %swap3A_141 = tpu.vector_load %arg16[%swap3A_139, %swap3A_140] {strides = array<i32>} : memref<128x128xf32, #tpu.memory_space<vmem>>, vector<16xf32>,
        tpu.vector_store %arg16[%swap3A_139, %swap3A_140], %mul3A_138 {strides = array<i32>} : memref<128x128xf32, #tpu.memory_space<vmem>>, vector<16xf32>,
        %scan3A_142 = arith.constant 0 : i32
        scf.yield %scan3A_142 : i32
      }
      %scan3A_84 = arith.constant 128 : i32
      "tpu.region"() ({
        %run_scoped3A = tpu.sem_alloc : memref<!tpu.dma_semaphore, #tpu.memory_space<semaphore_mem>>
        %dma_start3A_86 = arith.constant 0 : i32
        %dma_start3A_87 = arith.constant 0 : i32
        %dma_start3A_88 = tpu.memref_slice %arg8[%dma_start3A_86, %dma_start3A_87] : memref<10000x128xf32, #tpu.memory_space<vmem_shared>> -> memref<10000x128xf32, #tpu.memory_space<vmem_shared>>
        tpu.enqueue_indirect_dma source(%arg15 : memref<128x128xf32, #tpu.memory_space<vmem>>) target(%dma_start3A_88 : memref<10000x128xf32, #tpu.memory_space<vmem_shared>>) offsets(%arg11 : memref<128xi32, #tpu.memory_space<vmem>>) semaphore(%run_scoped3A : memref<!tpu.dma_semaphore, #tpu.memory_space<semaphore_mem>>) {add = true}
        %dma_wait3A_89 = arith.constant 0 : i32
        %dma_wait3A_90 = arith.constant 0 : i32
        %dma_wait3A_91 = tpu.memref_slice %arg8[%dma_wait3A_89, %dma_wait3A_90] : memref<10000x128xf32, #tpu.memory_space<vmem_shared>> -> memref<10000x128xf32, #tpu.memory_space<vmem_shared>>
        tpu.wait_indirect_dma semaphore(%run_scoped3A : memref<!tpu.dma_semaphore, #tpu.memory_space<semaphore_mem>>) src(%arg15 : memref<128x128xf32, #tpu.memory_space<vmem>>) dst(%dma_wait3A_91 : memref<10000x128xf32, #tpu.memory_space<vmem_shared>>)
        tpu.yield
      }) : () -> ()
      "tpu.region"() ({
        %run_scoped3A = tpu.sem_alloc : memref<!tpu.dma_semaphore, #tpu.memory_space<semaphore_mem>>
        %dma_start3A_86 = arith.constant 0 : i32
        %dma_start3A_87 = arith.constant 0 : i32
        %dma_start3A_88 = tpu.memref_slice %arg8[%dma_start3A_86, %dma_start3A_87] : memref<10000x128xf32, #tpu.memory_space<vmem_shared>> -> memref<10000x128xf32, #tpu.memory_space<vmem_shared>>
        tpu.enqueue_indirect_dma source(%arg16 : memref<128x128xf32, #tpu.memory_space<vmem>>) target(%dma_start3A_88 : memref<10000x128xf32, #tpu.memory_space<vmem_shared>>) offsets(%arg12 : memref<128xi32, #tpu.memory_space<vmem>>) semaphore(%run_scoped3A : memref<!tpu.dma_semaphore, #tpu.memory_space<semaphore_mem>>) {add = true}
        %dma_wait3A_89 = arith.constant 0 : i32
        %dma_wait3A_90 = arith.constant 0 : i32
        %dma_wait3A_91 = tpu.memref_slice %arg8[%dma_wait3A_89, %dma_wait3A_90] : memref<10000x128xf32, #tpu.memory_space<vmem_shared>> -> memref<10000x128xf32, #tpu.memory_space<vmem_shared>>
        tpu.wait_indirect_dma semaphore(%run_scoped3A : memref<!tpu.dma_semaphore, #tpu.memory_space<semaphore_mem>>) src(%arg16 : memref<128x128xf32, #tpu.memory_space<vmem>>) dst(%dma_wait3A_91 : memref<10000x128xf32, #tpu.memory_space<vmem_shared>>)
        tpu.yield
      }) : () -> ()
      %while3A_85 = arith.constant 0 : i32
      scf.yield %while3A_85 : i32
    }
    %barrier3A_31 = arith.constant 0 : index
    tpu.barrier barrier_id(%barrier3A_31)
    %eq3A_32 = arith.constant 0 : i32
    %eq3A_33 = arith.cmpi eq, %arg0, %eq3A_32 : i32
    %convert_element_type3A_34 = arith.extui %eq3A_33 : i1 to i32
    %cond3A_35 = arith.constant 0 : i32
    %cond3A_36 = arith.cmpi ne, %convert_element_type3A_34, %cond3A_35 : i32
    scf.if %cond3A_36 {
      "tpu.region"() ({
        %run_scoped3A = tpu.sem_alloc : memref<!tpu.dma_semaphore, #tpu.memory_space<semaphore_mem>>
        %dma_start3A = arith.constant 0 : i32
        %dma_start3A_47 = tpu.memref_slice %arg7[%mul3A_6, %dma_start3A] : memref<10000x128xf32, #tpu.memory_space<hbm>> -> memref<624x128xf32, #tpu.memory_space<hbm>>
        %dma_start3A_48 = arith.constant 0 : i32
        %dma_start3A_49 = tpu.memref_slice %arg8[%mul3A_6, %dma_start3A_48] : memref<10000x128xf32, #tpu.memory_space<vmem_shared>> -> memref<624x128xf32, #tpu.memory_space<vmem_shared>>
        tpu.enqueue_dma source(%dma_start3A_49 : memref<624x128xf32, #tpu.memory_space<vmem_shared>>) target(%dma_start3A_47 : memref<624x128xf32, #tpu.memory_space<hbm>>) target_semaphore(%run_scoped3A : memref<!tpu.dma_semaphore, #tpu.memory_space<semaphore_mem>>)
        %dma_wait3A = arith.constant 0 : i32
        %dma_wait3A_50 = tpu.memref_slice %arg7[%mul3A_6, %dma_wait3A] : memref<10000x128xf32, #tpu.memory_space<hbm>> -> memref<624x128xf32, #tpu.memory_space<hbm>>
        %dma_wait3A_51 = arith.constant 0 : i32
        %dma_wait3A_52 = tpu.memref_slice %arg8[%mul3A_6, %dma_wait3A_51] : memref<10000x128xf32, #tpu.memory_space<vmem_shared>> -> memref<624x128xf32, #tpu.memory_space<vmem_shared>>
        tpu.wait_dma2 semaphore(%run_scoped3A : memref<!tpu.dma_semaphore, #tpu.memory_space<semaphore_mem>>) src(%dma_wait3A_52 : memref<624x128xf32, #tpu.memory_space<vmem_shared>>) dst(%dma_wait3A_50 : memref<624x128xf32, #tpu.memory_space<hbm>>)
        tpu.yield
      }) : () -> ()
      %eq3A_42 = arith.constant 0 : i32
      %eq3A_43 = arith.cmpi eq, %arg1, %eq3A_42 : i32
      %convert_element_type3A_44 = arith.extui %eq3A_43 : i1 to i32
      %cond3A_45 = arith.constant 0 : i32
      %cond3A_46 = arith.cmpi ne, %convert_element_type3A_44, %cond3A_45 : i32
      scf.if %cond3A_46 {
        "tpu.region"() ({
          %run_scoped3A = tpu.sem_alloc : memref<!tpu.dma_semaphore, #tpu.memory_space<semaphore_mem>>
          %dma_start3A = arith.constant 9984 : i32
          %dma_start3A_47 = arith.constant 0 : i32
          %dma_start3A_48 = tpu.memref_slice %arg7[%dma_start3A, %dma_start3A_47] : memref<10000x128xf32, #tpu.memory_space<hbm>> -> memref<16x128xf32, #tpu.memory_space<hbm>>
          %dma_start3A_49 = arith.constant 9984 : i32
          %dma_start3A_50 = arith.constant 0 : i32
          %dma_start3A_51 = tpu.memref_slice %arg8[%dma_start3A_49, %dma_start3A_50] : memref<10000x128xf32, #tpu.memory_space<vmem_shared>> -> memref<16x128xf32, #tpu.memory_space<vmem_shared>>
          tpu.enqueue_dma source(%dma_start3A_51 : memref<16x128xf32, #tpu.memory_space<vmem_shared>>) target(%dma_start3A_48 : memref<16x128xf32, #tpu.memory_space<hbm>>) target_semaphore(%run_scoped3A : memref<!tpu.dma_semaphore, #tpu.memory_space<semaphore_mem>>)
          %dma_wait3A = arith.constant 9984 : i32
          %dma_wait3A_52 = arith.constant 0 : i32
          %dma_wait3A_53 = tpu.memref_slice %arg7[%dma_wait3A, %dma_wait3A_52] : memref<10000x128xf32, #tpu.memory_space<hbm>> -> memref<16x128xf32, #tpu.memory_space<hbm>>
          %dma_wait3A_54 = arith.constant 9984 : i32
          %dma_wait3A_55 = arith.constant 0 : i32
          %dma_wait3A_56 = tpu.memref_slice %arg8[%dma_wait3A_54, %dma_wait3A_55] : memref<10000x128xf32, #tpu.memory_space<vmem_shared>> -> memref<16x128xf32, #tpu.memory_space<vmem_shared>>
          tpu.wait_dma2 semaphore(%run_scoped3A : memref<!tpu.dma_semaphore, #tpu.memory_space<semaphore_mem>>) src(%dma_wait3A_56 : memref<16x128xf32, #tpu.memory_space<vmem_shared>>) dst(%dma_wait3A_53 : memref<16x128xf32, #tpu.memory_space<hbm>>)
          tpu.yield
        }) : () -> ()
      } else {
      }
    } else {
    }
    %eq3A_37 = arith.constant 1 : i32
    %eq3A_38 = arith.cmpi eq, %arg0, %eq3A_37 : i32
    %convert_element_type3A_39 = arith.extui %eq3A_38 : i1 to i32
    %cond3A_40 = arith.constant 0 : i32
    %cond3A_41 = arith.cmpi ne, %convert_element_type3A_39, %cond3A_40 : i32
    scf.if %cond3A_41 {
      "tpu.region"() ({
        %run_scoped3A = tpu.sem_alloc : memref<!tpu.dma_semaphore, #tpu.memory_space<semaphore_mem>>
        %dma_start3A = arith.constant 0 : i32
        %dma_start3A_47 = tpu.memref_slice %arg6[%mul3A_6, %dma_start3A] : memref<10000x128xf32, #tpu.memory_space<hbm>> -> memref<624x128xf32, #tpu.memory_space<hbm>>
        %dma_start3A_48 = arith.constant 0 : i32
        %dma_start3A_49 = tpu.memref_slice %arg8[%mul3A_6, %dma_start3A_48] : memref<10000x128xf32, #tpu.memory_space<vmem_shared>> -> memref<624x128xf32, #tpu.memory_space<vmem_shared>>
        tpu.enqueue_dma source(%dma_start3A_49 : memref<624x128xf32, #tpu.memory_space<vmem_shared>>) target(%dma_start3A_47 : memref<624x128xf32, #tpu.memory_space<hbm>>) target_semaphore(%run_scoped3A : memref<!tpu.dma_semaphore, #tpu.memory_space<semaphore_mem>>)
        %dma_wait3A = arith.constant 0 : i32
        %dma_wait3A_50 = tpu.memref_slice %arg6[%mul3A_6, %dma_wait3A] : memref<10000x128xf32, #tpu.memory_space<hbm>> -> memref<624x128xf32, #tpu.memory_space<hbm>>
        %dma_wait3A_51 = arith.constant 0 : i32
        %dma_wait3A_52 = tpu.memref_slice %arg8[%mul3A_6, %dma_wait3A_51] : memref<10000x128xf32, #tpu.memory_space<vmem_shared>> -> memref<624x128xf32, #tpu.memory_space<vmem_shared>>
        tpu.wait_dma2 semaphore(%run_scoped3A : memref<!tpu.dma_semaphore, #tpu.memory_space<semaphore_mem>>) src(%dma_wait3A_52 : memref<624x128xf32, #tpu.memory_space<vmem_shared>>) dst(%dma_wait3A_50 : memref<624x128xf32, #tpu.memory_space<hbm>>)
        tpu.yield
      }) : () -> ()
      %eq3A_42 = arith.constant 0 : i32
      %eq3A_43 = arith.cmpi eq, %arg1, %eq3A_42 : i32
      %convert_element_type3A_44 = arith.extui %eq3A_43 : i1 to i32
      %cond3A_45 = arith.constant 0 : i32
      %cond3A_46 = arith.cmpi ne, %convert_element_type3A_44, %cond3A_45 : i32
      scf.if %cond3A_46 {
        "tpu.region"() ({
          %run_scoped3A = tpu.sem_alloc : memref<!tpu.dma_semaphore, #tpu.memory_space<semaphore_mem>>
          %dma_start3A = arith.constant 9984 : i32
          %dma_start3A_47 = arith.constant 0 : i32
          %dma_start3A_48 = tpu.memref_slice %arg6[%dma_start3A, %dma_start3A_47] : memref<10000x128xf32, #tpu.memory_space<hbm>> -> memref<16x128xf32, #tpu.memory_space<hbm>>
          %dma_start3A_49 = arith.constant 9984 : i32
          %dma_start3A_50 = arith.constant 0 : i32
          %dma_start3A_51 = tpu.memref_slice %arg8[%dma_start3A_49, %dma_start3A_50] : memref<10000x128xf32, #tpu.memory_space<vmem_shared>> -> memref<16x128xf32, #tpu.memory_space<vmem_shared>>
          tpu.enqueue_dma source(%dma_start3A_51 : memref<16x128xf32, #tpu.memory_space<vmem_shared>>) target(%dma_start3A_48 : memref<16x128xf32, #tpu.memory_space<hbm>>) target_semaphore(%run_scoped3A : memref<!tpu.dma_semaphore, #tpu.memory_space<semaphore_mem>>)
          %dma_wait3A = arith.constant 9984 : i32
          %dma_wait3A_52 = arith.constant 0 : i32
          %dma_wait3A_53 = tpu.memref_slice %arg6[%dma_wait3A, %dma_wait3A_52] : memref<10000x128xf32, #tpu.memory_space<hbm>> -> memref<16x128xf32, #tpu.memory_space<hbm>>
          %dma_wait3A_54 = arith.constant 9984 : i32
          %dma_wait3A_55 = arith.constant 0 : i32
          %dma_wait3A_56 = tpu.memref_slice %arg8[%dma_wait3A_54, %dma_wait3A_55] : memref<10000x128xf32, #tpu.memory_space<vmem_shared>> -> memref<16x128xf32, #tpu.memory_space<vmem_shared>>
          tpu.wait_dma2 semaphore(%run_scoped3A : memref<!tpu.dma_semaphore, #tpu.memory_space<semaphore_mem>>) src(%dma_wait3A_56 : memref<16x128xf32, #tpu.memory_space<vmem_shared>>) dst(%dma_wait3A_53 : memref<16x128xf32, #tpu.memory_space<hbm>>)
          tpu.yield
        }) : () -> ()
      } else {
      }
    } else {
    }
    return
  }
}

</mosaic_0001>

<sc_bundles>
// kernel: kernel.3.cloned.1.call-start
scs
__scs_entry_jumppad:
0x0: {  	(pc) =	sbr.rel $0x88, $3  }
0x1: {  	(tag) =	ssettag $0x0;
	lr =	simm.s32 $0x1  }
0x2: {  	[smem:$0x3F9D] =	sst lr;
	_ =	strace $0xD0000000  }
0x3: {  	_ = 	snop  }
0x4: {  	_ = 	snop  }
0x5: {  	_ = 	snop  }
0x6: {  	_ = 	snop  }
0x7: {  	_ = 	snop  }
__scs_overlays_trampoline_lowered:
0x8: {  	[smem:$0x3FAC] =	sst s0  }
0x9: {  	[smem:$0x3FAD] =	sst s1  }
0xa: {  	[smem:$0x3FAE] =	sst s2  }
0xb: {  	[smem:$0x3FAF] =	sst s3  }
0xc: {  	[smem:$0x3FB0] =	sst s4  }
0xd: {  	[smem:$0x3FB1] =	sst s5  }
0xe: {  	[smem:$0x3FB2] =	sst s6  }
0xf: {  	[smem:$0x3FB3] =	sst s7  }
0x10: {  	[smem:$0x3FB4] =	sst s8  }
0x11: {  	[smem:$0x3FB5] =	sst s9;
	s0 =	simm.s32 @!p0 $0x0  }
0x12: {  	s1 =	sld [smem:$0x3F9B];
	s0 =	simm.s32 @p0 $0x1  }
0x13: {  	[smem:$0x3FB6] =	sst s0;
	s0 =	simm.s32 @!p1 $0x0  }
0x14: {  	s2 =	sld [smem:$0x3F9A];
	s0 =	simm.s32 @p1 $0x1  }
0x15: {  	[smem:$0x3FB7] =	sst s0;
	s0 =	simm.s32 @!p2 $0x0  }
0x16: {  	s3 =	sld [smem:$0x3FDB];
	s0 =	simm.s32 @p2 $0x1  }
0x17: {  	s4 =	simm.s32 $0x1BF5;
	[smem:$0x3FB9] =	sst s0  }
0x18: {  	s0 =	sld [smem:$0x3F9C];
	_ =	swait.ge [sflag:s4], $0x0  }
0x19: {  	s7 =	sld [smem:$0x3F9D]  }
0x1a: {  	s8 =	sadd.s32 $0xFFFFE003, lr  }
0x1b: {  	s9 =	sadd.s32 $0xFFFFFEF7, lr;
	s5 =	simm.s32 $0xFFFFFFFF;
	p2 =	slt.u32 s8, $0xFFFFF086  }
0x1c: {  	p1 =	slt.u32 s9, $0xF7A;
	s5 =	simm.s32 @!p2 $0x0  }
0x1d: {  	s5 =	simm.s32 @p1 $0x1;
	p0 =	seq.s32 s7, s2  }
0x1e: {  	s7 =	smul.u32 @!p0 $0xF7A, s2;
	p2 =	seq.s32 @!p0 s5, $0x0  }
0x1f: {  	s9 =	smul.u32 $0xF7A, s1;
	s8 =	simm.s32 @!p0 $0x1BF5;
	p2 =	por !p2, p0  }
0x20: {  	[sflag:s8] =	ssyncset.s32 @!p0 $0xFFFFF086;
	s6 =	sadd.s32 @!p0 s3, s7;
	s7 =	simm.s32 @!p0 $0x108  }
0x21: {  	s3 =	sadd.s32 s3, s9;
	s6 =	sadd.s32 @!p0 $0x88, s6;
	s7 =	simm.s32 @p2 $0x1082  }
0x22: {  	[simem:s7], [sflag:s8] =	dma.local @!p0 [hbm:s6], $0xF7A  }
0x23: {  	s9 =	sor.u32 $0xD0000000, s2;
	s6 =	simm.s32 $0x108;
	_ =	swait.ge @!p0 [sflag:s8], $0x0  }
0x24: {  	s3 =	sadd.s32 $0x88, s3;
	s6 =	simm.s32 @!p1 $0x1082;
	[sflag:s4] =	ssyncset.s32 $0xFFFFF086  }
0x25: {  	[simem:s6], [sflag:s4] =	dma.local [hbm:s3], $0xF7A  }
0x26: {  	[smem:$0x3F9D] =	sst s1;
	(tag) =	ssettag s2;
	_ =	strace s9  }
0x27: {  	s1 =	sld [smem:$0x3FAD]  }
0x28: {  	s2 =	sld [smem:$0x3FAE]  }
0x29: {  	s4 =	sld [smem:$0x3FB0]  }
0x2a: {  	p0 =	seq.s32 s5, $0x0;
	s5 =	sld [smem:$0x3FB1]  }
0x2b: {  	s6 =	sld [smem:$0x3FB2]  }
0x2c: {  	s7 =	sld [smem:$0x3FB3]  }
0x2d: {  	s3 =	simm.s32 $0x108;
	s8 =	sld [smem:$0x3FB4]  }
0x2e: {  	s3 =	simm.s32 @!p0 $0x1082;
	s9 =	sld [smem:$0x3FB5]  }
0x2f: {  	lr =	sadd.s32 s0, s3;
	s0 =	sld [smem:$0x3FAC]  }
0x30: {  	s3 =	sld [smem:$0x3FAF]  }
0x31: {  	[smem:$0x3FB8] =	sst s10  }
0x32: {  	s10 =	sld [smem:$0x3FB6];
	_ =	sdelay $0x3  }
0x33: {  	p0 =	seq.s32 s10, $0x1;
	s10 =	sld [smem:$0x3FB8];
	_ =	sdelay $0x3  }
0x34: {  	[smem:$0x3FB8] =	sst s10  }
0x35: {  	s10 =	sld [smem:$0x3FB7];
	_ =	sdelay $0x3  }
0x36: {  	p1 =	seq.s32 s10, $0x1;
	s10 =	sld [smem:$0x3FB8];
	_ =	sdelay $0x3  }
0x37: {  	[smem:$0x3FB8] =	sst s10  }
0x38: {  	s10 =	sld [smem:$0x3FB9]  }
0x39: {  	_ = 	snop;
	(pc) =	sbr.ind lr, $3  }
0x3a: {  	_ = 	snop  }
0x3b: {  	_ = 	snop  }
0x3c: {  	p2 =	seq.s32 s10, $0x1;
	s10 =	sld [smem:$0x3FB8]  }
0x3d: {  	_ =	shalt  }
0x3e: {  	_ =	shalt  }
0x3f: {  	_ =	shalt  }
0x40: {  	_ =	shalt  }
0x41: {  	_ =	shalt  }
0x42: {  	_ =	shalt  }
0x43: {  	_ =	shalt  }
0x44: {  	_ =	shalt  }
0x45: {  	_ =	shalt  }
0x46: {  	_ =	shalt  }
0x47: {  	_ =	shalt  }
0x48: {  	_ =	shalt  }
0x49: {  	_ =	shalt  }
0x4a: {  	_ =	shalt  }
0x4b: {  	_ =	shalt  }
0x4c: {  	_ =	shalt  }
0x4d: {  	_ =	shalt  }
0x4e: {  	_ =	shalt  }
0x4f: {  	_ =	shalt  }
0x50: {  	_ =	shalt  }
0x51: {  	_ =	shalt  }
0x52: {  	_ =	shalt  }
0x53: {  	_ =	shalt  }
0x54: {  	_ =	shalt  }
0x55: {  	_ =	shalt  }
0x56: {  	_ =	shalt  }
0x57: {  	_ =	shalt  }
0x58: {  	_ =	shalt  }
0x59: {  	_ =	shalt  }
0x5a: {  	_ =	shalt  }
0x5b: {  	_ =	shalt  }
0x5c: {  	_ =	shalt  }
0x5d: {  	_ =	shalt  }
0x5e: {  	_ =	shalt  }
0x5f: {  	_ =	shalt  }
0x60: {  	_ =	shalt  }
0x61: {  	_ =	shalt  }
0x62: {  	_ =	shalt  }
0x63: {  	_ =	shalt  }
0x64: {  	_ =	shalt  }
0x65: {  	_ =	shalt  }
0x66: {  	_ =	shalt  }
0x67: {  	_ =	shalt  }
0x68: {  	_ =	shalt  }
0x69: {  	_ =	shalt  }
0x6a: {  	_ =	shalt  }
0x6b: {  	_ =	shalt  }
0x6c: {  	_ =	shalt  }
0x6d: {  	_ =	shalt  }
0x6e: {  	_ =	shalt  }
0x6f: {  	_ =	shalt  }
0x70: {  	_ =	shalt  }
0x71: {  	_ =	shalt  }
0x72: {  	_ =	shalt  }
0x73: {  	_ =	shalt  }
0x74: {  	_ =	shalt  }
0x75: {  	_ =	shalt  }
0x76: {  	_ =	shalt  }
0x77: {  	_ =	shalt  }
0x78: {  	_ =	shalt  }
0x79: {  	_ =	shalt  }
0x7a: {  	_ =	shalt  }
0x7b: {  	_ =	shalt  }
0x7c: {  	_ =	shalt  }
0x7d: {  	_ =	shalt  }
0x7e: {  	_ =	shalt  }
0x7f: {  	_ =	shalt  }
0x80: {  	_ =	shalt  }
0x81: {  	_ =	shalt  }
0x82: {  	_ =	shalt  }
0x83: {  	_ =	shalt  }
0x84: {  	_ =	shalt  }
0x85: {  	_ =	shalt  }
0x86: {  	_ =	shalt  }
0x87: {  	_ =	shalt  }
.Lfunc_end0:
.L_simem_size_0:
called_computation_lowered:
.L_overlay_start_0:
0x88: {  	s2 =	sld [smem:$0x3FD9]  }
0x89: {  	s3 =	sld [smem:$0x3FFE];
	_ =	sdelay $0x1  }
0x8a: {  	s1 =	srdreg.scid  }
0x8b: {  	s0 =	sand.u32 $0x1, s1  }
0x8c: {  	s14 =	sshll.u32 s0, $0xA;
	s2 =	sadd.s32 s3, s2  }
0x8d: {  	s2 =	sadd.s32 s2, s14  }
0x8e: {  	[smem:$0x3FC4] =	sst s2  }
0x8f: {  	_ = 	snop  }
0x90: {  	s2 =	sld [smem:$0x3FD0];
	_ =	sdelay $0x2  }
0x91: {  	s4 =	simm.s32 $0xA;
	s5 =	simm.s32 $0x10;
	s15 =	sld [smem:$0x3FC6]  }
0x92: {  	[smem:s5], [sflag:s4] =	dma.local [hbm:s2], $0x1  }
0x93: {  	_ =	swait.eq [sflag:s4], $0x1  }
0x94: {  	[sflag:s4] =	ssyncset.done $0x0  }
0x95: {  	s16 =	sld [smem:$0x10];
	[sflag:s4] =	ssyncadd.s32 $0xFFFFFFFF  }
0x96: {  	s17 =	sld [smem:$0x11];
	(tm) =	ssettm $0x1  }
0x97: {  	s18 =	sld [smem:$0x3FFB];
	_ =	sdelay $0x3  }
0x98: {  	_ =	strace s18  }
0x99: {  	s5 =	sld [smem:$0x3FFC];
	_ =	sdelay $0x3  }
0x9a: {  	_ =	strace s5  }
0x9b: {  	s5 =	sld [smem:$0x3FFD];
	_ =	sdelay $0x3  }
0x9c: {  	_ =	strace s5  }
0x9d: {  	_ =	strace $0x8FFFFFFF  }
0x9e: {  	s19 =	sld [smem:$0x3FDB];
	_ =	sdelay $0x1  }
0x9f: {  	s6 =	simm.s32 $_scs_section_size  }
0xa0: {  	s7 =	simm.s32 $_size__tile_overlayer_lowered;
	s8 =	simm.s32 $_tile_overlayer_lowered  }
0xa1: {  	s22 =	simm.s32 $0x1BFF;
	s21 =	sshll.u32 s8, $0x1;
	s5 =	sadd.s32 s6, s19  }
0xa2: {  	s9 =	simm.s32 $0x0;
	s20 =	sshll.u32 s7, $0x1;
	s7 =	sadd.s32 s21, s5  }
0xa3: {  	[timem:s9], [sflag:s22] =	dma.local [hbm:s7], s20  }
0xa4: {  	_ =	swait.ge [sflag:s22], s20  }
0xa5: {  	s6 =	ssub.s32 $0x0, s20;
	[sflag:s22] =	ssyncset.done $0x0  }
0xa6: {  	[sflag:s22] =	ssyncadd.s32 s6;
	_ =	sdelay $0x1  }
0xa7: {  	s23 =	simm.s32 $0x1B8B  }
0xa8: {  	_ =	swait.ge [sflag:s23], $0x1  }
0xa9: {  	[sflag:s23] =	ssyncset.done $0x0  }
0xaa: {  	s25 =	simm.s32 $0x1B8E;
	s24 =	sld [smem:$0x3FFE];
	[sflag:s23] =	ssyncadd.s32 $0xFFFFFFFF  }
0xab: {  	s26 =	simm.s32 $execute0_lowered;
	[smem:$0x3FD2] =	sst s25  }
0xac: {  	s7 =	sshll.u32 s26, $0x1;
	_ =	strace $0x80000046;
	[dreg:$0x1] =	wrdreg $0xFFFFFFFF  }
0xad: {  	s28 =	simm.s32 $_size_execute0_lowered;
	s5 =	sadd.s32 s5, s7;
	[dreg:$0x0] =	wrdreg $0x0  }
0xae: {  	s7 =	sshll.u32 s28, $0x1;
	[dreg:$0x2] =	wrdreg s5  }
0xaf: {  	[dreg:$0x3] =	wrdreg s7  }
0xb0: {  	[dreg:$0x4] =	wrdreg $0xC0  }
0xb1: {  	_ =	task [dreg:s9], $0x5FFFF  }
0xb2: {  	[dreg:$0x1] =	wrdreg $0xFFFFFFFF  }
0xb3: {  	[dreg:$0x0] =	wrdreg $0x60  }
0xb4: {  	[dreg:$0x2] =	wrdreg s24  }
0xb5: {  	[dreg:$0x3] =	wrdreg s15  }
0xb6: {  	[dreg:$0x4] =	wrdreg s16  }
0xb7: {  	[dreg:$0x5] =	wrdreg s17  }
0xb8: {  	[dreg:$0x6] =	wrdreg $0x0  }
0xb9: {  	[dreg:$0x7] =	wrdreg $0x9  }
0xba: {  	_ =	task.clear_ibuf [dreg:s9], $0x8FFFF;
	_ =	strace $0x90000046  }
0xbb: {  	s29 =	simm.s32 $0x9;
	_ =	strace $0x80000048  }
0xbc: {  	_ =	swait.ge [sflag:s29], $0x1  }
0xbd: {  	[sflag:s29] =	ssyncadd.s32 $0xFFFFFFFF  }
0xbe: {  	_ =	strace $0x90000048  }
0xbf: {  	_ =	sfence  }
0xc0: {  	s30 =	sld [smem:$0x0];
	_ =	sdelay $0x2  }
0xc1: {  	s31 =	sshll.u32 s1, $0xD;
	s1 =	sshrl.u32 s1, $0x2  }
0xc2: {  	s3 =	sand.u32 $0x4000, s31;
	s1 =	sadd.s32 s1, s30  }
0xc3: {  	s0 =	sor.u32 s3, s0;
	s1 =	sshll.u32 s1, $0x11  }
0xc4: {  	s0 =	sor.u32 s1, s0  }
0xc5: {  	s0 =	sadd.s32 $0x8F2B, s0  }
0xc6: {  	[sflag:s0] =	ssyncadd.remote.s32 $0x1  }
0xc7: {  	_ =	sfence.sel $0xFFFF  }
0xc8: {  	[dreg:$0x0] =	wrdreg $0xFFFFFFFF;
	(pc) =	sbr.abs _section_cstart, $3  }
0xc9: {  	[dreg:$0x1] =	wrdreg $0xFFFFFFFF  }
0xca: {  	_ =	task.clear_ibuf [dreg:s9], $0x2FFFF;
	_ =	strace $0x9FFFFFFF  }
0xcb: {  	(tm) =	ssettm $0x7FFFFFFF  }
tec
execute0_lowered:
.L_overlay_start_1:
0x0: {  	(tag) =	ssettag $0x1  }
0x1: {  	s0 =	rddreg [dreg:$0x0]  }
0x2: {  	s1 =	rddreg [dreg:$0x1]  }
0x3: {  	s11 =	rddreg [dreg:$0x2]  }
0x4: {  	s12 =	rddreg [dreg:$0x3]  }
0x5: {  	s4 =	rddreg [dreg:$0x4]  }
0x6: {  	s5 =	simm.s32 $0x0;
	s13 =	stileid.u32;
	s2 =	srdreg.scid  }
0x7: {  	s16 =	simm.s32 $0x4F;
	s28 =	simm.s32 $0x13900;
	s29 =	simm.s32 $0x13A00  }
0x8: {  	s30 =	simm.s32 $0x13B00;
	s31 =	simm.s32 $0x80;
	s19 =	simm.s32 $0x0  }
0x9: {  	[smem:$0x7FF] =	sst s5;
	s3 =	smul.u32 $0x4E000, s13;
	s7 =	sadd.s32 $0xC00, s0  }
0xa: {  	s2 =	sand.u32 $0x1, s2;
	s8 =	sadd.s32 $0x62800, s0;
	s9 =	sadd.s32 $0x4EE00, s0  }
0xb: {  	s15 =	sadd.s32 $0x138000, s4;
	p0 =	slt.u32 s13, $0x2;
	s24 =	smul.u32 $0x2700, s13  }
0xc: {  	s17 =	sshll.u32 s13, $0x8;
	p2 =	seq.s32 s13, $0x0;
	_ =	strace $0x80000047  }
0xd: {  	s6 =	ssub.s32 $0x2, s2;
	s16 =	simm.s32 @!p0 $0x4E;
	s18 =	sshll.u32 s2, $0x7  }
0xe: {  	p1 =	seq.s32 s2, $0x1;
	p0 =	sne.s32 s13, $0x0;
	s2 =	simm.s32 $0x1  }
0xf: {  	s3 =	sshrl.u32 s3, $0x2;
	s21 =	sshrl.u32 s6, $0x1;
	s25 =	sadd.s32 s12, s24  }
0x10: {  	s26 =	sadd.s32 s11, s24;
	s24 =	simm.s32 $0x13880;
	[dreg:$0x9] =	wrdreg s25  }
0x11: {  	s10 =	sadd.s32 s3, s4;
	s0 =	ssub.s32 s6, s21;
	[dreg:$0xa] =	wrdreg s26  }
.Ltmp0:
0x12: {  	s25 =	simm.s32 $0x13980;
	s3 =	sadd.s32 $0x4000, s10;
	(pc) =	sbr.rel .LBB2_1-.Ltmp0, $4  }
0x13: {  	s26 =	simm.s32 $0x13A80;
	s22 =	sadd.s32 $0x8000, s10;
	[dreg:$0x6] =	wrdreg s3  }
0x14: {  	s23 =	sadd.s32 $0xC000, s10;
	s14 =	sadd.s32 $0x10000, s10;
	[dreg:$0x7] =	wrdreg s22  }
0x15: {  	s21 =	smax.u32 s0, $0x1;
	s0 =	simm.s32 $0x17B80;
	[dreg:$0x8] =	wrdreg s23  }
0x16: {  	v0 =	vimm.f32 $0.0e+00;
	s22 =	simm.s32 $0x13B80;
	s23 =	simm.s32 $0x3;
	s3 =	simm.s32 $0x2  }
.LBB2_12:
0x17: {  	s11 =	sadd.s32 $0x27000, s11;
	s12 =	sshrl.u32 s15, $0x3  }
0x18: {  	[hbm:s11], [sflag:s6] =	dma.local [spmem:s12], $0x100  }
0x19: {  	_ =	swait.ge [sflag:s23], $0x100  }
0x1a: {  	[sflag:s23] =	ssyncset.done $0x0  }
0x1b: {  	[sflag:s23] =	ssyncadd.s32 $0xFFFFFF00  }
.LBB2_13:
0x1c: {  	s5 =	sadd.s32 $0x1, s5  }
0x1d: {  	p3 =	sne.s32 s5, s21  }
.Ltmp1:
0x1e: {  	_ = 	snop;
	(pc) =	sbr.rel @!p3 .LBB2_14-.Ltmp1, $1  }
0x1f: {  	_ =	sdelay $0x3  }
.LBB2_1:
0x20: {  	s6 =	simm.s32 $0x0;
	s11 =	simm.s32 $0x200  }
.LBB2_2:
0x21: {  	p3 =	sne.s32 s11, $0xFE00;
	[tilespmem:s6+$0x13BF0] =	vst v0  }
0x22: {  	[tilespmem:s6+$0x13B80] =	vst v0  }
0x23: {  	[tilespmem:s6+$0x13B90] =	vst v0  }
.Ltmp2:
0x24: {  	[tilespmem:s6+$0x13BA0] =	vst v0;
	(pc) =	sbr.rel @p3 .LBB2_2-.Ltmp2, $4  }
0x25: {  	[tilespmem:s6+$0x13BB0] =	vst v0  }
0x26: {  	[tilespmem:s6+$0x13BC0] =	vst v0  }
0x27: {  	[tilespmem:s6+$0x13BD0] =	vst v0  }
0x28: {  	[tilespmem:s6+$0x13BE0] =	vst v0;
	s6 =	sshra.s32 s11, $0x2;
	s11 =	sadd.s32 $0x200, s11  }
0x29: {  	[tilespmem:s6+$0x13BF0] =	vst v0  }
0x2a: {  	[tilespmem:s6+$0x13B80] =	vst v0  }
0x2b: {  	[tilespmem:s6+$0x13B90] =	vst v0  }
0x2c: {  	[tilespmem:s6+$0x13BA0] =	vst v0  }
0x2d: {  	[tilespmem:s6+$0x13BB0] =	vst v0  }
0x2e: {  	[tilespmem:s6+$0x13BC0] =	vst v0  }
0x2f: {  	[tilespmem:s6+$0x13BD0] =	vst v0  }
0x30: {  	[tilespmem:s6+$0x13BE0] =	vst v0  }
0x31: {  	[spmem:s10] =	stream.linear.scatter [tilespmem:s22], [sflag:$0x3], $0x4000, $0x38;
	[tilespmem:$0x1BB80] =	vst v63  }
0x32: {  	_ =	swait.ge [sflag:s23], $0x4000  }
0x33: {  	[sflag:s23] =	ssyncset.done $0x0  }
0x34: {  	s12 =	rddreg [dreg:$0x6];
	[sflag:s23] =	ssyncadd.s32 $0xFFFFC000  }
0x35: {  	[spmem:s12] =	stream.linear.scatter [tilespmem:s22], [sflag:$0x3], $0x4000, $0x38;
	[tilespmem:$0x1BB80] =	vst v63  }
0x36: {  	_ =	swait.ge [sflag:s23], $0x4000  }
0x37: {  	[sflag:s23] =	ssyncset.done $0x0  }
0x38: {  	s13 =	rddreg [dreg:$0x7];
	[sflag:s23] =	ssyncadd.s32 $0xFFFFC000  }
0x39: {  	[spmem:s13] =	stream.linear.scatter [tilespmem:s22], [sflag:$0x3], $0x4000, $0x38;
	[tilespmem:$0x1BB80] =	vst v63  }
0x3a: {  	_ =	swait.ge [sflag:s23], $0x4000  }
0x3b: {  	[sflag:s23] =	ssyncset.done $0x0  }
0x3c: {  	s20 =	rddreg [dreg:$0x8];
	[sflag:s23] =	ssyncadd.s32 $0xFFFFC000  }
0x3d: {  	[spmem:s20] =	stream.linear.scatter [tilespmem:s22], [sflag:$0x3], $0x4000, $0x38;
	[tilespmem:$0x1BB80] =	vst v63  }
0x3e: {  	_ =	swait.ge [sflag:s23], $0x4000  }
0x3f: {  	[sflag:s23] =	ssyncset.done $0x0  }
0x40: {  	[sflag:s23] =	ssyncadd.s32 $0xFFFFC000  }
0x41: {  	[spmem:s14] =	stream.linear.scatter [tilespmem:s22], [sflag:$0x3], $0x3800, $0x38;
	[tilespmem:$0x1BB80] =	vst v63  }
0x42: {  	_ =	swait.ge [sflag:s23], $0x3800  }
0x43: {  	[sflag:s23] =	ssyncset.done $0x0  }
0x44: {  	s6 =	simm.s32 @!p0 $0x13B80;
	[sflag:s23] =	ssyncadd.s32 $0xFFFFC800  }
0x45: {  	[spmem:s15] =	stream.linear.scatter @!p0 [tilespmem:s6], [sflag:$0x3], $0x800, $0x38;
	[tilespmem:$0x1BB80] =	vst v63  }
0x46: {  	s6 =	simm.s32 @!p0 $0x3  }
0x47: {  	_ =	swait.ge @!p0 [sflag:s6], $0x800  }
0x48: {  	[sflag:s6] =	ssyncset.done @!p0 $0x0  }
0x49: {  	[sflag:s6] =	ssyncadd.s32 @!p0 $0xFFFFF800  }
0x4a: {  	s20 =	simm.s32 $0x0;
	[bflag:$0x0] =	sbarrier.arrive $0xFFFF  }
.LBB2_4:
0x4b: {  	s6 =	sshll.u32 s20, $0xC  }
0x4c: {  	s6 =	sor.u32 s17, s6  }
0x4d: {  	s11 =	sshll.u32 s6, $0x1  }
0x4e: {  	s11 =	sor.u32 s18, s11  }
0x4f: {  	s11 =	sshrl.u32 s11, $0x3  }
0x50: {  	s12 =	sadd.s32 s8, s11  }
0x51: {  	[tilespmem:s24], [sflag:$0x3] =	stream.linear.gather [hbm4b:s12+s19], $0x80, $0x38;
	[tilespmem:$0x1BB80] =	vst v63  }
0x52: {  	_ =	swait.ge [sflag:s23], $0x80  }
0x53: {  	[sflag:s23] =	ssyncset.done $0x0  }
0x54: {  	s11 =	sadd.s32 s9, s11;
	[sflag:s23] =	ssyncadd.s32 $0xFFFFFF80  }
0x55: {  	[tilespmem:s25], [sflag:$0x3] =	stream.linear.gather [hbm4b:s11+s19], $0x80, $0x38;
	[tilespmem:$0x1BB80] =	vst v63  }
0x56: {  	s13 =	sshrl.u32 s6, $0x3;
	s6 =	sshrl.u32 s6, $0x7;
	_ =	swait.ge [sflag:s23], $0x80  }
0x57: {  	s6 =	sor.u32 $0x1, s6;
	[sflag:s23] =	ssyncset.done $0x0  }
0x58: {  	s12 =	sshll.u32 s6, $0x8;
	s11 =	sadd.s32 s1, s13;
	[sflag:s23] =	ssyncadd.s32 $0xFFFFFF80  }
0x59: {  	[tilespmem:s26], [sflag:$0x3] =	stream.linear.gather [hbm4b:s11+s19], $0x80, $0x38;
	[tilespmem:$0x1BB80] =	vst v63  }
0x5a: {  	s11 =	sor.u32 s18, s12;
	_ =	swait.ge [sflag:s23], $0x80  }
0x5b: {  	s11 =	sshrl.u32 s11, $0x3;
	[sflag:s23] =	ssyncset.done $0x0  }
0x5c: {  	s13 =	sadd.s32 s8, s11;
	[sflag:s23] =	ssyncadd.s32 $0xFFFFFF80  }
0x5d: {  	[tilespmem:s28], [sflag:$0x3] =	stream.linear.gather [hbm4b:s13+s19], $0x80, $0x38;
	[tilespmem:$0x1BB80] =	vst v63  }
0x5e: {  	_ =	swait.ge [sflag:s23], $0x80  }
0x5f: {  	[sflag:s23] =	ssyncset.done $0x0  }
0x60: {  	s11 =	sadd.s32 s9, s11;
	[sflag:s23] =	ssyncadd.s32 $0xFFFFFF80  }
0x61: {  	[tilespmem:s29], [sflag:$0x3] =	stream.linear.gather [hbm4b:s11+s19], $0x80, $0x38;
	[tilespmem:$0x1BB80] =	vst v63  }
0x62: {  	_ =	swait.ge [sflag:s23], $0x80  }
0x63: {  	s6 =	sshll.u32 s6, $0x4;
	[sflag:s23] =	ssyncset.done $0x0  }
0x64: {  	s6 =	sadd.s32 s1, s6;
	[sflag:s23] =	ssyncadd.s32 $0xFFFFFF80  }
0x65: {  	[tilespmem:s30], [sflag:$0x3] =	stream.linear.gather [hbm4b:s6+s19], $0x80, $0x38;
	[tilespmem:$0x1BB80] =	vst v63  }
0x66: {  	_ =	swait.ge [sflag:s23], $0x80  }
0x67: {  	[sflag:s23] =	ssyncset.done $0x0  }
0x68: {  	[sflag:s23] =	ssyncadd.s32 $0xFFFFFF80  }
0x69: {  	[tilespmem:s22], [sflag:$0x1] =	stream.indirect.gather [hbm4b:s7+s31], $0x80, s24, s31, $0xb8;
	[tilespmem:$0x1BB80] =	vst v63  }
0x6a: {  	_ = 	snop  }
0x6b: {  	[tilespmem:s0], [sflag:$0x2] =	stream.indirect.gather [hbm4b:s7+s31], $0x80, s28, s31, $0xb8;
	[tilespmem:$0x1BB80] =	vst v63  }
0x6c: {  	_ =	swait.ge [sflag:s2], $0x4000  }
0x6d: {  	v1 =	vmov s19;
	[sflag:s2] =	ssyncset.done $0x0  }
0x6e: {  	s6 =	simm.s32 $0x13BC0;
	[sflag:s2] =	ssyncadd.s32 $0xFFFFC000  }
0x6f: {  	v5 =	vld [tilespmem:s6+$0x30]  }
0x70: {  	v8 =	vld [tilespmem:s6+$0x10]  }
0x71: {  	v6 =	vld [tilespmem:s6+$0xFFFFFFC0]  }
0x72: {  	v2 =	vld.idx.msk [tilespmem:v1+s26+$0x0], $0xffff  }
0x73: {  	v10 =	vld [tilespmem:s6+$0xFFFFFFE0]  }
0x74: {  	v1 =	vld [tilespmem:s6+$0xFFFFFFF0]  }
0x75: {  	v3 =	vld [tilespmem:s6+$0x20]  }
0x76: {  	v4 =	vld [tilespmem:s6+$0xFFFFFFD0]  }
0x77: {  	v9 =	vmul.f32 v5, v2;
	v5 =	vld [tilespmem:s6+$0x0]  }
0x78: {  	v7 =	vmul.f32 v6, v2  }
0x79: {  	s12 =	simm.s32 $0x13BC0;
	s11 =	simm.s32 $0x1;
	v6 =	vmul.f32 v10, v2;
	v8 =	vmul.f32 v8, v2  }
.LBB2_5:
0x7a: {  	p3 =	sne.s32 s11, $0x7F  }
0x7b: {  	v4 =	vmul.f32 v4, v2;
	v3 =	vmul.f32 v3, v2;
	[tilespmem:s6+$0x30] =	vst v9;
	s12 =	sadd.s32 $0x80, s12;
	s13 =	smov.u32 s11;
	s11 =	sadd.s32 $0x1, s11  }
0x7c: {  	[tilespmem:s6+$0xFFFFFFC0] =	vst v7;
	v7 =	vmul.f32 v1, v2;
	v2 =	vmul.f32 v5, v2  }
0x7d: {  	[tilespmem:s6+$0x10] =	vst v8  }
0x7e: {  	v5 =	vmov s13;
	[tilespmem:s6+$0xFFFFFFE0] =	vst v6  }
0x7f: {  	v1 =	vld [tilespmem:s12+$0xFFFFFFF0];
	[tilespmem:s6+$0xFFFFFFF0] =	vst v7  }
0x80: {  	v6 =	vld [tilespmem:s12+$0x30];
	[tilespmem:s6+$0x0] =	vst v2  }
0x81: {  	v8 =	vld [tilespmem:s12+$0x10];
	[tilespmem:s6+$0x20] =	vst v3  }
0x82: {  	v7 =	vld [tilespmem:s12+$0xFFFFFFC0];
	[tilespmem:s6+$0xFFFFFFD0] =	vst v4;
	s6 =	smov.u32 s12  }
0x83: {  	v2 =	vld.idx.msk [tilespmem:v5+s26+$0x0], $0xffff  }
0x84: {  	v10 =	vld [tilespmem:s12+$0xFFFFFFE0]  }
0x85: {  	v3 =	vld [tilespmem:s12+$0x20]  }
.Ltmp3:
0x86: {  	v4 =	vld [tilespmem:s12+$0xFFFFFFD0];
	(pc) =	sbr.rel @p3 .LBB2_5-.Ltmp3, $3  }
0x87: {  	v5 =	vld [tilespmem:s12+$0x0];
	_ =	sdelay $0x1  }
0x88: {  	v7 =	vmul.f32 v7, v2;
	v9 =	vmul.f32 v6, v2  }
0x89: {  	v8 =	vmul.f32 v8, v2;
	v6 =	vmul.f32 v10, v2  }
0x8a: {  	[tilespmem:s6+$0x30] =	vst v9  }
0x8b: {  	[tilespmem:s6+$0xFFFFFFC0] =	vst v7  }
0x8c: {  	v1 =	vmul.f32 v1, v2;
	[tilespmem:s6+$0x10] =	vst v8  }
0x8d: {  	v3 =	vmul.f32 v3, v2;
	[tilespmem:s6+$0xFFFFFFE0] =	vst v6  }
0x8e: {  	v5 =	vmul.f32 v5, v2;
	[tilespmem:s6+$0xFFFFFFF0] =	vst v1  }
0x8f: {  	v1 =	vmul.f32 v4, v2;
	[tilespmem:s6+$0x20] =	vst v3  }
0x90: {  	[tilespmem:s6+$0x0] =	vst v5  }
0x91: {  	[tilespmem:s6+$0xFFFFFFD0] =	vst v1  }
0x92: {  	s13 =	simm.s32 $0x0;
	_ =	swait.ge [sflag:s3], $0x4000  }
0x93: {  	v1 =	vmov s13;
	[sflag:s3] =	ssyncset.done $0x0  }
0x94: {  	s6 =	simm.s32 $0x17BC0;
	[sflag:s3] =	ssyncadd.s32 $0xFFFFC000  }
0x95: {  	v5 =	vld [tilespmem:s6+$0x30]  }
0x96: {  	v8 =	vld [tilespmem:s6+$0x10]  }
0x97: {  	v6 =	vld [tilespmem:s6+$0xFFFFFFC0]  }
0x98: {  	v2 =	vld.idx.msk [tilespmem:v1+s30+$0x0], $0xffff  }
0x99: {  	v10 =	vld [tilespmem:s6+$0xFFFFFFE0]  }
0x9a: {  	v3 =	vld [tilespmem:s6+$0x20]  }
0x9b: {  	v4 =	vld [tilespmem:s6+$0xFFFFFFD0]  }
0x9c: {  	v1 =	vld [tilespmem:s6+$0xFFFFFFF0]  }
0x9d: {  	v9 =	vmul.f32 v5, v2;
	v5 =	vld [tilespmem:s6+$0x0]  }
0x9e: {  	v7 =	vmul.f32 v6, v2  }
0x9f: {  	s11 =	simm.s32 $0x1;
	s12 =	simm.s32 $0x17BC0;
	v6 =	vmul.f32 v10, v2;
	v8 =	vmul.f32 v8, v2  }
.LBB2_7:
0xa0: {  	p3 =	sne.s32 s11, $0x7F  }
0xa1: {  	v4 =	vmul.f32 v4, v2;
	v3 =	vmul.f32 v3, v2;
	[tilespmem:s6+$0x30] =	vst v9;
	s12 =	sadd.s32 $0x80, s12;
	s13 =	smov.u32 s11;
	s11 =	sadd.s32 $0x1, s11  }
0xa2: {  	[tilespmem:s6+$0xFFFFFFC0] =	vst v7;
	v7 =	vmul.f32 v1, v2;
	v2 =	vmul.f32 v5, v2  }
0xa3: {  	[tilespmem:s6+$0x10] =	vst v8  }
0xa4: {  	v5 =	vmov s13;
	[tilespmem:s6+$0xFFFFFFE0] =	vst v6  }
0xa5: {  	v1 =	vld [tilespmem:s12+$0xFFFFFFF0];
	[tilespmem:s6+$0xFFFFFFF0] =	vst v7  }
0xa6: {  	v6 =	vld [tilespmem:s12+$0x30];
	[tilespmem:s6+$0x0] =	vst v2  }
0xa7: {  	v8 =	vld [tilespmem:s12+$0x10];
	[tilespmem:s6+$0x20] =	vst v3  }
0xa8: {  	v7 =	vld [tilespmem:s12+$0xFFFFFFC0];
	[tilespmem:s6+$0xFFFFFFD0] =	vst v4;
	s6 =	smov.u32 s12  }
0xa9: {  	v2 =	vld.idx.msk [tilespmem:v5+s30+$0x0], $0xffff  }
0xaa: {  	v10 =	vld [tilespmem:s12+$0xFFFFFFE0]  }
0xab: {  	v3 =	vld [tilespmem:s12+$0x20]  }
.Ltmp4:
0xac: {  	v4 =	vld [tilespmem:s12+$0xFFFFFFD0];
	(pc) =	sbr.rel @p3 .LBB2_7-.Ltmp4, $3  }
0xad: {  	v5 =	vld [tilespmem:s12+$0x0];
	_ =	sdelay $0x1  }
0xae: {  	v7 =	vmul.f32 v7, v2;
	v9 =	vmul.f32 v6, v2  }
0xaf: {  	v8 =	vmul.f32 v8, v2;
	v6 =	vmul.f32 v10, v2  }
0xb0: {  	[tilespmem:s6+$0x30] =	vst v9  }
0xb1: {  	[tilespmem:s6+$0xFFFFFFC0] =	vst v7  }
0xb2: {  	v1 =	vmul.f32 v1, v2;
	[tilespmem:s6+$0x10] =	vst v8  }
0xb3: {  	v3 =	vmul.f32 v3, v2;
	[tilespmem:s6+$0xFFFFFFE0] =	vst v6  }
0xb4: {  	v5 =	vmul.f32 v5, v2;
	[tilespmem:s6+$0xFFFFFFF0] =	vst v1  }
0xb5: {  	v1 =	vmul.f32 v4, v2;
	[tilespmem:s6+$0x20] =	vst v3  }
0xb6: {  	[tilespmem:s6+$0x0] =	vst v5  }
0xb7: {  	[tilespmem:s6+$0xFFFFFFD0] =	vst v1  }
0xb8: {  	[spmem:s4] =	stream.indirect.scatter.add.f32 [tilespmem:s22], [sflag:$0x3], $0x80, s25, s31, $0xb8;
	[tilespmem:$0x1BB80] =	vst v63  }
0xb9: {  	s20 =	sadd.s32 $0x1, s20;
	_ =	swait.ge [sflag:s23], $0x4000  }
0xba: {  	p3 =	sne.s32 s20, s16;
	[sflag:s23] =	ssyncset.done $0x0  }
.Ltmp5:
0xbb: {  	[sflag:s23] =	ssyncadd.s32 $0xFFFFC000;
	(pc) =	sbr.rel @p3 .LBB2_4-.Ltmp5, $4  }
0xbc: {  	[spmem:s4] =	stream.indirect.scatter.add.f32 [tilespmem:s0], [sflag:$0x3], $0x80, s29, s31, $0xb8;
	[tilespmem:$0x1BB80] =	vst v63  }
0xbd: {  	_ =	swait.ge [sflag:s23], $0x4000  }
0xbe: {  	[sflag:s23] =	ssyncset.done $0x0  }
0xbf: {  	[sflag:s23] =	ssyncadd.s32 $0xFFFFC000  }
.Ltmp6:
0xc0: {  	(pc) =	sbr.rel @!p1 .LBB2_10-.Ltmp6, $4  }
0xc1: {  	_ = 	snop  }
0xc2: {  	s6 =	stileid.u32  }
0xc3: {  	[bflag:$0x0] =	sbarrier.arrive $0xFFFF;
	s12 =	sshll.u32 s6, $0x6  }
0xc4: {  	s11 =	sshrl.u32 s10, $0x3;
	s6 =	sor.u32 $0x1C03, s12  }
0xc5: {  	s6 =	sor.u32 $0x1C03, s12;
	s20 =	rddreg [dreg:$0xa]  }
0xc6: {  	[hbm:s20], [sflag:s6] =	dma.local [spmem:s11], $0x2700  }
.Ltmp7:
0xc7: {  	_ = 	snop;
	(pc) =	sbr.rel @p0 .LBB2_13-.Ltmp7, $4  }
.Ltmp8:
0xc8: {  	_ =	swait.ge [sflag:s23], $0x2700;
	(pc) =	sbr.rel @!p0 .LBB2_12-.Ltmp8, $4  }
0xc9: {  	[sflag:s23] =	ssyncset.done $0x0  }
0xca: {  	[sflag:s23] =	ssyncadd.s32 $0xFFFFD900  }
0xcb: {  	s11 =	rddreg [dreg:$0x2]  }
0xcc: {  	_ = 	snop  }
.LBB2_10:
0xcd: {  	s12 =	rddreg [dreg:$0x9]  }
0xce: {  	[hbm:s12], [sflag:s6] =	dma.local [spmem:s11], $0x2700  }
.Ltmp9:
0xcf: {  	_ = 	snop;
	(pc) =	sbr.rel @!p2 .LBB2_13-.Ltmp9, $4  }
.Ltmp10:
0xd0: {  	_ =	swait.ge [sflag:s23], $0x2700;
	(pc) =	sbr.rel @p2 .LBB2_12-.Ltmp10, $4  }
0xd1: {  	[sflag:s23] =	ssyncset.done $0x0  }
0xd2: {  	[sflag:s23] =	ssyncadd.s32 $0xFFFFD900  }
0xd3: {  	s11 =	rddreg [dreg:$0x3]  }
0xd4: {  	_ = 	snop  }
.LBB2_14:
0xd5: {  	_ =	sfence.sel $0x180000  }
0xd6: {  	[bflag:$0x0] =	sbarrier.arrive $0xFFFF  }
0xd7: {  	_ =	strace $0x90000047  }
0xd8: {  	[bflag:$0x2] =	sbarrier.arrive $0xFFFF  }
0xd9: {  	s0 =	rddreg [dreg:$0x5]  }
0xda: {  	s0 =	sadd.s32 @!p0 $0x100000, s0  }
0xdb: {  	[sflag:s0] =	ssyncadd.tile.s32 @!p0 $0x1;
	_ =	shalt  }
.Lfunc_end2:
_tile_overlayer_lowered:
.L_overlay_start_2:
0xdc: {  	(tag) =	ssettag $0x2  }
0xdd: {  	s0 =	rddreg [dreg:$0x0];
	s2 =	stileid.u32  }
0xde: {  	s1 =	rddreg [dreg:$0x1];
	p0 =	sne.s32 s2, $0x0  }
0xdf: {  	s3 =	rddreg [dreg:$0x2];
	[bflag:$0x3] =	sbarrier.arrive $0xFFFF;
	s2 =	simm.s32 @!p0 $0x1C03  }
0xe0: {  	[timem:s3], [sflag:s2] =	dma.local @!p0 [hbm:s0], s1  }
0xe1: {  	s0 =	simm.s32 @!p0 $0x3  }
0xe2: {  	_ =	swait.ge @!p0 [sflag:s0], s1  }
0xe3: {  	s1 =	ssub.s32 @!p0 $0x0, s1;
	[sflag:s0] =	ssyncset.done @!p0 $0x0  }
0xe4: {  	[sflag:s0] =	ssyncadd.s32 @!p0 s1  }
0xe5: {  	[bflag:$0x3] =	sbarrier.arrive $0xFFFF  }
0xe6: {  	_ =	shalt  }

</sc_bundles>
